<compile_context>
chip_gen: v7x
topology: tpu7x:2x2x1
jax: 0.10.2.dev20260603
libtpu: 0.0.44.dev20260713+nightly
codegen_flags: <defaults>
</compile_context>

<pallas_src>
import functools

import jax
import jax.numpy as jnp
from jax import lax
from jax.experimental import pallas as pl
from jax.experimental.pallas import tpu as pltpu
from jax.experimental.pallas import tpu_sc as plsc

M = 1000
A = 7
D = 256
K = 3
L = 16
MP = 1024
BLK = 128


NBLK = MP // BLK


def _dense_body(q_ref, bank_ref, sims_ref):
    qv = q_ref[0]
    qn = jnp.maximum(jnp.sqrt(jnp.sum(qv * qv)), 1e-8)
    for i in range(NBLK):
        n = BLK if i + 1 < NBLK else M - (NBLK - 1) * BLK
        x = bank_ref[pl.ds(i * BLK, n)]
        s = jnp.sum(x, axis=1)
        dot = jnp.sum(s * qv[None, :], axis=1)
        sq = jnp.sum(s * s, axis=1)
        norm = jnp.maximum(jnp.sqrt(sq) * (1.0 / A), 1e-8)
        sims = (dot * (1.0 / A)) / (norm * qn)
        if n < BLK:
            sims = jnp.pad(sims, (0, BLK - n),
                           constant_values=-jnp.inf)
        flat = i * BLK + lax.broadcasted_iota(jnp.int32, (BLK,), 0)
        sims = jnp.where(flat < M, sims, jnp.float32(-jnp.inf))
        sims_ref[i] = sims.reshape(1, BLK)


_dense_call = pl.pallas_call(
    _dense_body,
    in_specs=[
        pl.BlockSpec(memory_space=pltpu.MemorySpace.VMEM),
        pl.BlockSpec(memory_space=pltpu.MemorySpace.VMEM),
    ],
    out_specs=pl.BlockSpec(memory_space=pltpu.MemorySpace.VMEM),
    out_shape=jax.ShapeDtypeStruct((MP // BLK, 1, BLK), jnp.float32),
)


_MESH = plsc.VectorSubcoreMesh(core_axis_name="c", subcore_axis_name="s",
                               num_cores=1)


@functools.partial(
    pl.kernel,
    out_type=(
        jax.ShapeDtypeStruct((L,), jnp.float32),
        jax.ShapeDtypeStruct((L,), jnp.int32),
    ),
    mesh=_MESH,
    scratch_types=[
        pltpu.VMEM((MP,), jnp.float32),
        pltpu.VMEM((L,), jnp.float32),
        pltpu.VMEM((L,), jnp.int32),
    ],
    compiler_params=pltpu.CompilerParams(needs_layout_passes=False),
)
def _top_kernel(sims_hbm, tv_hbm, ti_hbm, sims_v, tv_v, ti_v):
    wid = lax.axis_index("s") * 2 + lax.axis_index("c")

    @pl.when(wid == 0)
    def _():
        pltpu.sync_copy(sims_hbm, sims_v)

        lanes = lax.iota(jnp.int32, L)
        neg = jnp.float32(-jnp.inf)
        big = jnp.int32(2**30)
        mx0 = jnp.full((L,), neg)
        mi0 = jnp.full((L,), big)

        def ins(v, gidx, st):
            v1, i1, v2, i2, v3, i3 = st
            c1 = v > v1
            nv1 = jnp.where(c1, v, v1)
            ni1 = jnp.where(c1, gidx, i1)
            dv = jnp.where(c1, v1, v)
            di = jnp.where(c1, i1, gidx)
            c2 = dv > v2
            nv2 = jnp.where(c2, dv, v2)
            ni2 = jnp.where(c2, di, i2)
            dv2 = jnp.where(c2, v2, dv)
            di2 = jnp.where(c2, i2, di)
            c3 = dv2 > v3
            nv3 = jnp.where(c3, dv2, v3)
            ni3 = jnp.where(c3, di2, i3)
            return (nv1, ni1, nv2, ni2, nv3, ni3)

        st0 = (mx0, mi0, mx0, mi0, mx0, mi0)

        def body(i, carry):
            a, b = carry
            ca = i * 2
            a = ins(sims_v[pl.ds(ca * L, L)], lanes + ca * L, a)
            b = ins(sims_v[pl.ds((ca + 1) * L, L)], lanes + (ca + 1) * L, b)
            return (a, b)

        a, b = lax.fori_loop(0, MP // L // 2, body, (st0, st0))
        cands = [(a[0], a[1]), (a[2], a[3]), (a[4], a[5]),
                 (b[0], b[1]), (b[2], b[3]), (b[4], b[5])]

        def finish(mx, mi):
            gmax = jnp.max(mx)
            gidx = jnp.min(jnp.where(mx == gmax, mi, big))
            return gmax, gidx

        def sel(prev):
            mx, mi = mx0, mi0
            for cv, ci in cands:
                if prev is not None:
                    gv, gi = prev
                    keep = (cv < gv) | ((cv == gv) & (ci > gi))
                    cv = jnp.where(keep, cv, neg)
                better = (cv > mx) | ((cv == mx) & (ci < mi))
                mx = jnp.where(better, cv, mx)
                mi = jnp.where(better, ci, mi)
            return finish(mx, mi)

        p0 = sel(None)
        p1 = sel(p0)
        p2 = sel(p1)

        tv = jnp.where(lanes == 0, p0[0],
                       jnp.where(lanes == 1, p1[0],
                                 jnp.where(lanes == 2, p2[0],
                                           jnp.float32(0.0))))
        ti = jnp.where(lanes == 0, p0[1],
                       jnp.where(lanes == 1, p1[1],
                                 jnp.where(lanes == 2, p2[1],
                                           jnp.int32(0))))
        tv_v[...] = tv
        ti_v[...] = ti
        pltpu.sync_copy(tv_v, tv_hbm)
        pltpu.sync_copy(ti_v, ti_hbm)


def _gather_body(ti_ref, bank_ref, best_ref):
    best_ref[...] = bank_ref[...]


_gather_call = pl.pallas_call(
    _gather_body,
    grid_spec=pltpu.PrefetchScalarGridSpec(
        num_scalar_prefetch=1,
        grid=(1,),
        in_specs=[
            pl.BlockSpec((1, A, D), lambda i, ti_ref: (ti_ref[0], 0, 0)),
        ],
        out_specs=pl.BlockSpec((1, A, D), lambda i, ti_ref: (0, 0, 0)),
    ),
    out_shape=jax.ShapeDtypeStruct((1, A, D), jnp.float32),
)


def kernel(query_embedding, memory_bank, k):
    sims8 = _dense_call(query_embedding.reshape(1, D), memory_bank)
    sims1 = sims8.reshape(MP)
    tv, ti = _top_kernel(sims1)
    best = _gather_call(ti, memory_bank)
    return (sims1[:M], tv[:K], ti[:K], best[0])

# --- scband reference (transcript-rebuilt; emitter-appended) ---
"""Pipeline reference for scband-memory-system-10496900071797 (READ-ONLY COPY).

The authoritative reference and input builder live on the scoring server;
editing this copy changes nothing except your own understanding.
"""

import jax, jax.numpy as jnp
import numpy as np

M = 1000   # max_memories / number of stored memories
A = 7      # anchor_count
D = 256    # embedding dim
K = 3      # top-k retrieved memories


def setup_inputs(seed: int = 0) -> dict:
    key = jax.random.key(seed)
    k1, k2 = jax.random.split(key)
    query_embedding = jax.random.normal(k1, (D,), dtype=jnp.float32)
    memory_bank = jax.random.normal(k2, (M, A, D), dtype=jnp.float32)
    return {"query_embedding": query_embedding, "memory_bank": memory_bank, "k": K}


def reference(query_embedding, memory_bank, k=K):
    # Faithful translation of MemorySystem.reconstruct_memory:
    # for each memory: sim = cosine_similarity(query, mem.anchor_embeddings.mean(dim=0))
    mem_means = memory_bank.mean(axis=1)                      # [M, D]
    eps = 1e-8
    q_norm = jnp.maximum(jnp.linalg.norm(query_embedding), eps)
    m_norms = jnp.maximum(jnp.linalg.norm(mem_means, axis=-1), eps)
    sims = (mem_means @ query_embedding) / (m_norms * q_norm)  # [M]
    # top_indices = sorted by similarity desc, take k
    top_sims, top_indices = jax.lax.top_k(sims, K)
    top_sims = top_sims + 0 * k
    top_indices = top_indices + 0 * k
    # best memory's (reconstructed) anchor embeddings returned alongside
    best_idx = top_indices[0]
    best_anchor_embs = memory_bank[best_idx]                   # [A, D]
    return sims, top_sims, top_indices, best_anchor_embs

if __name__ == "__main__":
    import jax
    _d = setup_inputs()
    print(jax.jit(kernel)(*tuple(_d.values())))

</pallas_src>

<mosaic_0001>
#map = affine_map<(d0, d1) -> (0)>
module attributes {stable_mosaic.version = 14 : i64} {
  func.func @_top_kernel(%arg0: i32, %arg1: i32, %arg2: memref<1024xf32, #tpu.memory_space<hbm>>, %arg3: memref<16xf32, #tpu.memory_space<hbm>>, %arg4: memref<16xi32, #tpu.memory_space<hbm>>, %arg5: memref<1024xf32, #tpu.memory_space<vmem>>, %arg6: memref<16xf32, #tpu.memory_space<vmem>>, %arg7: memref<16xi32, #tpu.memory_space<vmem>>) attributes {dimension_semantics = [#tpu.dimension_semantics<core_parallel>, #tpu.dimension_semantics<subcore_parallel>], iteration_bounds = array<i64: 1, 16>, scalar_prefetch = 0 : i64, scratch_operands = 3 : i64, tpu.core_type = #tpu.core_type<sc_vector_subcore>, window_params = [{transform_indices = #map}, {transform_indices = #map}, {transform_indices = #map}]} {
    %mul3A = arith.constant 2 : i32
    %mul3A_0 = arith.muli %arg1, %mul3A : i32
    %add3A = arith.addi %mul3A_0, %arg0 : i32
    %eq3A = arith.constant 0 : i32
    %eq3A_1 = arith.cmpi eq, %add3A, %eq3A : i32
    %convert_element_type3A = arith.extui %eq3A_1 : i1 to i32
    %cond3A = arith.constant 0 : i32
    %cond3A_2 = arith.cmpi ne, %convert_element_type3A, %cond3A : i32
    scf.if %cond3A_2 {
      "tpu.region"() ({
        %run_scoped3A = tpu.sem_alloc : memref<!tpu.dma_semaphore, #tpu.memory_space<semaphore_mem>>
        tpu.enqueue_dma source(%arg2 : memref<1024xf32, #tpu.memory_space<hbm>>) target(%arg5 : memref<1024xf32, #tpu.memory_space<vmem>>) target_semaphore(%run_scoped3A : memref<!tpu.dma_semaphore, #tpu.memory_space<semaphore_mem>>)
        tpu.wait_dma2 semaphore(%run_scoped3A : memref<!tpu.dma_semaphore, #tpu.memory_space<semaphore_mem>>) src(%arg2 : memref<1024xf32, #tpu.memory_space<hbm>>) dst(%arg5 : memref<1024xf32, #tpu.memory_space<vmem>>)
        tpu.yield
      }) : () -> ()
      %iota3A = tpu.iota {dimensions = array<i32: 0>} : vector<16xi32>
      %broadcast_in_dim3A = arith.constant 0xFF800000 : f32
      %broadcast_in_dim3A_3 = vector.broadcast %broadcast_in_dim3A : f32 to vector<16xf32>
      %broadcast_in_dim3A_4 = arith.constant 1073741824 : i32
      %broadcast_in_dim3A_5 = vector.broadcast %broadcast_in_dim3A_4 : i32 to vector<16xi32>
      %scan3A = arith.constant 0 : i32
      %scan3A_6 = arith.constant 32 : i32
      %scan3A_7 = arith.addi %scan3A, %scan3A_6 : i32
      %scan3A_8 = arith.constant 1 : i32
      %scan3A_9:12 = scf.for %scan3A_349 = %scan3A to %scan3A_7 step %scan3A_8 iter_args(%scan3A_350 = %broadcast_in_dim3A_3, %scan3A_351 = %broadcast_in_dim3A_5, %scan3A_352 = %broadcast_in_dim3A_3, %scan3A_353 = %broadcast_in_dim3A_5, %scan3A_354 = %broadcast_in_dim3A_3, %scan3A_355 = %broadcast_in_dim3A_5, %scan3A_356 = %broadcast_in_dim3A_3, %scan3A_357 = %broadcast_in_dim3A_5, %scan3A_358 = %broadcast_in_dim3A_3, %scan3A_359 = %broadcast_in_dim3A_5, %scan3A_360 = %broadcast_in_dim3A_3, %scan3A_361 = %broadcast_in_dim3A_5) -> (vector<16xf32>, vector<16xi32>, vector<16xf32>, vector<16xi32>, vector<16xf32>, vector<16xi32>, vector<16xf32>, vector<16xi32>, vector<16xf32>, vector<16xi32>, vector<16xf32>, vector<16xi32>)  : i32 {
        %mul3A_362 = arith.constant 2 : i32
        %mul3A_363 = arith.muli %scan3A_349, %mul3A_362 : i32
        %mul3A_364 = arith.constant 16 : i32
        %mul3A_365 = arith.muli %mul3A_363, %mul3A_364 : i32
        %get3A = arith.index_cast %mul3A_365 : i32 to index
        %get3A_366 = tpu.vector_load %arg5[%get3A] {strides = array<i32>} : memref<1024xf32, #tpu.memory_space<vmem>>, vector<16xf32>,
        %mul3A_367 = arith.constant 16 : i32
        %mul3A_368 = arith.muli %mul3A_363, %mul3A_367 : i32
        %add3A_369 = vector.broadcast %mul3A_368 : i32 to vector<16xi32>
        %add3A_370 = arith.addi %iota3A, %add3A_369 : vector<16xi32>
        %gt3A_371 = arith.cmpf ogt, %get3A_366, %scan3A_350 : vector<16xf32>
        %select_n3A_372 = arith.select %gt3A_371, %get3A_366, %scan3A_350 : vector<16xi1>, vector<16xf32>
        %select_n3A_373 = arith.select %gt3A_371, %add3A_370, %scan3A_351 : vector<16xi1>, vector<16xi32>
        %select_n3A_374 = arith.select %gt3A_371, %scan3A_350, %get3A_366 : vector<16xi1>, vector<16xf32>
        %select_n3A_375 = arith.select %gt3A_371, %scan3A_351, %add3A_370 : vector<16xi1>, vector<16xi32>
        %gt3A_376 = arith.cmpf ogt, %select_n3A_374, %scan3A_352 : vector<16xf32>
        %select_n3A_377 = arith.select %gt3A_376, %select_n3A_374, %scan3A_352 : vector<16xi1>, vector<16xf32>
        %select_n3A_378 = arith.select %gt3A_376, %select_n3A_375, %scan3A_353 : vector<16xi1>, vector<16xi32>
        %select_n3A_379 = arith.select %gt3A_376, %scan3A_352, %select_n3A_374 : vector<16xi1>, vector<16xf32>
        %select_n3A_380 = arith.select %gt3A_376, %scan3A_353, %select_n3A_375 : vector<16xi1>, vector<16xi32>
        %gt3A_381 = arith.cmpf ogt, %select_n3A_379, %scan3A_354 : vector<16xf32>
        %select_n3A_382 = arith.select %gt3A_381, %select_n3A_379, %scan3A_354 : vector<16xi1>, vector<16xf32>
        %select_n3A_383 = arith.select %gt3A_381, %select_n3A_380, %scan3A_355 : vector<16xi1>, vector<16xi32>
        %add3A_384 = arith.constant 1 : i32
        %add3A_385 = arith.addi %mul3A_363, %add3A_384 : i32
        %mul3A_386 = arith.constant 16 : i32
        %mul3A_387 = arith.muli %add3A_385, %mul3A_386 : i32
        %get3A_388 = arith.index_cast %mul3A_387 : i32 to index
        %get3A_389 = tpu.vector_load %arg5[%get3A_388] {strides = array<i32>} : memref<1024xf32, #tpu.memory_space<vmem>>, vector<16xf32>,
        %add3A_390 = arith.constant 1 : i32
        %add3A_391 = arith.addi %mul3A_363, %add3A_390 : i32
        %mul3A_392 = arith.constant 16 : i32
        %mul3A_393 = arith.muli %add3A_391, %mul3A_392 : i32
        %add3A_394 = vector.broadcast %mul3A_393 : i32 to vector<16xi32>
        %add3A_395 = arith.addi %iota3A, %add3A_394 : vector<16xi32>
        %gt3A_396 = arith.cmpf ogt, %get3A_389, %scan3A_356 : vector<16xf32>
        %select_n3A_397 = arith.select %gt3A_396, %get3A_389, %scan3A_356 : vector<16xi1>, vector<16xf32>
        %select_n3A_398 = arith.select %gt3A_396, %add3A_395, %scan3A_357 : vector<16xi1>, vector<16xi32>
        %select_n3A_399 = arith.select %gt3A_396, %scan3A_356, %get3A_389 : vector<16xi1>, vector<16xf32>
        %select_n3A_400 = arith.select %gt3A_396, %scan3A_357, %add3A_395 : vector<16xi1>, vector<16xi32>
        %gt3A_401 = arith.cmpf ogt, %select_n3A_399, %scan3A_358 : vector<16xf32>
        %select_n3A_402 = arith.select %gt3A_401, %select_n3A_399, %scan3A_358 : vector<16xi1>, vector<16xf32>
        %select_n3A_403 = arith.select %gt3A_401, %select_n3A_400, %scan3A_359 : vector<16xi1>, vector<16xi32>
        %select_n3A_404 = arith.select %gt3A_401, %scan3A_358, %select_n3A_399 : vector<16xi1>, vector<16xf32>
        %select_n3A_405 = arith.select %gt3A_401, %scan3A_359, %select_n3A_400 : vector<16xi1>, vector<16xi32>
        %gt3A_406 = arith.cmpf ogt, %select_n3A_404, %scan3A_360 : vector<16xf32>
        %select_n3A_407 = arith.select %gt3A_406, %select_n3A_404, %scan3A_360 : vector<16xi1>, vector<16xf32>
        %select_n3A_408 = arith.select %gt3A_406, %select_n3A_405, %scan3A_361 : vector<16xi1>, vector<16xi32>
        scf.yield %select_n3A_372, %select_n3A_373, %select_n3A_377, %select_n3A_378, %select_n3A_382, %select_n3A_383, %select_n3A_397, %select_n3A_398, %select_n3A_402, %select_n3A_403, %select_n3A_407, %select_n3A_408 : vector<16xf32>, vector<16xi32>, vector<16xf32>, vector<16xi32>, vector<16xf32>, vector<16xi32>, vector<16xf32>, vector<16xi32>, vector<16xf32>, vector<16xi32>, vector<16xf32>, vector<16xi32>
      }
      %scan3A_10 = arith.constant 32 : i32
      %gt3A = arith.cmpf ogt, %scan3A_9#0, %broadcast_in_dim3A_3 : vector<16xf32>
      %eq3A_11 = arith.cmpf oeq, %scan3A_9#0, %broadcast_in_dim3A_3 : vector<16xf32>
      %lt3A = arith.cmpi slt, %scan3A_9#1, %broadcast_in_dim3A_5 : vector<16xi32>
      %and3A = arith.andi %eq3A_11, %lt3A : vector<16xi1>
      %or3A = arith.ori %gt3A, %and3A : vector<16xi1>
      %select_n3A = arith.select %or3A, %scan3A_9#0, %broadcast_in_dim3A_3 : vector<16xi1>, vector<16xf32>
      %select_n3A_12 = arith.select %or3A, %scan3A_9#1, %broadcast_in_dim3A_5 : vector<16xi1>, vector<16xi32>
      %gt3A_13 = arith.cmpf ogt, %scan3A_9#2, %select_n3A : vector<16xf32>
      %eq3A_14 = arith.cmpf oeq, %scan3A_9#2, %select_n3A : vector<16xf32>
      %lt3A_15 = arith.cmpi slt, %scan3A_9#3, %select_n3A_12 : vector<16xi32>
      %and3A_16 = arith.andi %eq3A_14, %lt3A_15 : vector<16xi1>
      %or3A_17 = arith.ori %gt3A_13, %and3A_16 : vector<16xi1>
      %select_n3A_18 = arith.select %or3A_17, %scan3A_9#2, %select_n3A : vector<16xi1>, vector<16xf32>
      %select_n3A_19 = arith.select %or3A_17, %scan3A_9#3, %select_n3A_12 : vector<16xi1>, vector<16xi32>
      %gt3A_20 = arith.cmpf ogt, %scan3A_9#4, %select_n3A_18 : vector<16xf32>
      %eq3A_21 = arith.cmpf oeq, %scan3A_9#4, %select_n3A_18 : vector<16xf32>
      %lt3A_22 = arith.cmpi slt, %scan3A_9#5, %select_n3A_19 : vector<16xi32>
      %and3A_23 = arith.andi %eq3A_21, %lt3A_22 : vector<16xi1>
      %or3A_24 = arith.ori %gt3A_20, %and3A_23 : vector<16xi1>
      %select_n3A_25 = arith.select %or3A_24, %scan3A_9#4, %select_n3A_18 : vector<16xi1>, vector<16xf32>
      %select_n3A_26 = arith.select %or3A_24, %scan3A_9#5, %select_n3A_19 : vector<16xi1>, vector<16xi32>
      %gt3A_27 = arith.cmpf ogt, %scan3A_9#6, %select_n3A_25 : vector<16xf32>
      %eq3A_28 = arith.cmpf oeq, %scan3A_9#6, %select_n3A_25 : vector<16xf32>
      %lt3A_29 = arith.cmpi slt, %scan3A_9#7, %select_n3A_26 : vector<16xi32>
      %and3A_30 = arith.andi %eq3A_28, %lt3A_29 : vector<16xi1>
      %or3A_31 = arith.ori %gt3A_27, %and3A_30 : vector<16xi1>
      %select_n3A_32 = arith.select %or3A_31, %scan3A_9#6, %select_n3A_25 : vector<16xi1>, vector<16xf32>
      %select_n3A_33 = arith.select %or3A_31, %scan3A_9#7, %select_n3A_26 : vector<16xi1>, vector<16xi32>
      %gt3A_34 = arith.cmpf ogt, %scan3A_9#8, %select_n3A_32 : vector<16xf32>
      %eq3A_35 = arith.cmpf oeq, %scan3A_9#8, %select_n3A_32 : vector<16xf32>
      %lt3A_36 = arith.cmpi slt, %scan3A_9#9, %select_n3A_33 : vector<16xi32>
      %and3A_37 = arith.andi %eq3A_35, %lt3A_36 : vector<16xi1>
      %or3A_38 = arith.ori %gt3A_34, %and3A_37 : vector<16xi1>
      %select_n3A_39 = arith.select %or3A_38, %scan3A_9#8, %select_n3A_32 : vector<16xi1>, vector<16xf32>
      %select_n3A_40 = arith.select %or3A_38, %scan3A_9#9, %select_n3A_33 : vector<16xi1>, vector<16xi32>
      %gt3A_41 = arith.cmpf ogt, %scan3A_9#10, %select_n3A_39 : vector<16xf32>
      %eq3A_42 = arith.cmpf oeq, %scan3A_9#10, %select_n3A_39 : vector<16xf32>
      %lt3A_43 = arith.cmpi slt, %scan3A_9#11, %select_n3A_40 : vector<16xi32>
      %and3A_44 = arith.andi %eq3A_42, %lt3A_43 : vector<16xi1>
      %or3A_45 = arith.ori %gt3A_41, %and3A_44 : vector<16xi1>
      %select_n3A_46 = arith.select %or3A_45, %scan3A_9#10, %select_n3A_39 : vector<16xi1>, vector<16xf32>
      %select_n3A_47 = arith.select %or3A_45, %scan3A_9#11, %select_n3A_40 : vector<16xi1>, vector<16xi32>
      %reduce_max3A = arith.constant true
      %reduce_max3A_48 = vector.broadcast %reduce_max3A : i1 to vector<16xi1>
      %reduce_max3A_49 = tpu.scan <max>, %select_n3A_46 masked %reduce_max3A_48 : vector<16xf32>, vector<16xi1> -> vector<16xf32>
      %reduce_max3A_50 = vector.extract %reduce_max3A_49[15] : f32 from vector<16xf32>
      %eq3A_51 = vector.broadcast %reduce_max3A_50 : f32 to vector<16xf32>
      %eq3A_52 = arith.cmpf oeq, %select_n3A_46, %eq3A_51 : vector<16xf32>
      %jit3A = arith.constant 1073741824 : i32
      %broadcast_in_dim3A_53 = vector.broadcast %jit3A : i32 to vector<16xi32>
      %select_n3A_54 = arith.select %eq3A_52, %select_n3A_47, %broadcast_in_dim3A_53 : vector<16xi1>, vector<16xi32>
      %reduce_min3A = arith.constant true
      %reduce_min3A_55 = vector.broadcast %reduce_min3A : i1 to vector<16xi1>
      %reduce_min3A_56 = arith.constant -2147483648 : i32
      %reduce_min3A_57 = vector.broadcast %reduce_min3A_56 : i32 to vector<16xi32>
      %reduce_min3A_58 = arith.xori %select_n3A_54, %reduce_min3A_57 : vector<16xi32>
      %reduce_min3A_59 = tpu.scan <min>, %reduce_min3A_58 masked %reduce_min3A_55 : vector<16xi32>, vector<16xi1> -> vector<16xi32>
      %reduce_min3A_60 = arith.xori %reduce_min3A_59, %reduce_min3A_57 : vector<16xi32>
      %reduce_min3A_61 = vector.extract %reduce_min3A_60[15] : i32 from vector<16xi32>
      %lt3A_62 = vector.broadcast %reduce_max3A_50 : f32 to vector<16xf32>
      %lt3A_63 = arith.cmpf olt, %scan3A_9#0, %lt3A_62 : vector<16xf32>
      %eq3A_64 = vector.broadcast %reduce_max3A_50 : f32 to vector<16xf32>
      %eq3A_65 = arith.cmpf oeq, %scan3A_9#0, %eq3A_64 : vector<16xf32>
      %gt3A_66 = vector.broadcast %reduce_min3A_61 : i32 to vector<16xi32>
      %gt3A_67 = arith.cmpi sgt, %scan3A_9#1, %gt3A_66 : vector<16xi32>
      %and3A_68 = arith.andi %eq3A_65, %gt3A_67 : vector<16xi1>
      %or3A_69 = arith.ori %lt3A_63, %and3A_68 : vector<16xi1>
      %jit3A_70 = arith.constant 0xFF800000 : f32
      %broadcast_in_dim3A_71 = vector.broadcast %jit3A_70 : f32 to vector<16xf32>
      %select_n3A_72 = arith.select %or3A_69, %scan3A_9#0, %broadcast_in_dim3A_71 : vector<16xi1>, vector<16xf32>
      %gt3A_73 = arith.cmpf ogt, %select_n3A_72, %broadcast_in_dim3A_3 : vector<16xf32>
      %eq3A_74 = arith.cmpf oeq, %select_n3A_72, %broadcast_in_dim3A_3 : vector<16xf32>
      %lt3A_75 = arith.cmpi slt, %scan3A_9#1, %broadcast_in_dim3A_5 : vector<16xi32>
      %and3A_76 = arith.andi %eq3A_74, %lt3A_75 : vector<16xi1>
      %or3A_77 = arith.ori %gt3A_73, %and3A_76 : vector<16xi1>
      %select_n3A_78 = arith.select %or3A_77, %select_n3A_72, %broadcast_in_dim3A_3 : vector<16xi1>, vector<16xf32>
      %select_n3A_79 = arith.select %or3A_77, %scan3A_9#1, %broadcast_in_dim3A_5 : vector<16xi1>, vector<16xi32>
      %lt3A_80 = vector.broadcast %reduce_max3A_50 : f32 to vector<16xf32>
      %lt3A_81 = arith.cmpf olt, %scan3A_9#2, %lt3A_80 : vector<16xf32>
      %eq3A_82 = vector.broadcast %reduce_max3A_50 : f32 to vector<16xf32>
      %eq3A_83 = arith.cmpf oeq, %scan3A_9#2, %eq3A_82 : vector<16xf32>
      %gt3A_84 = vector.broadcast %reduce_min3A_61 : i32 to vector<16xi32>
      %gt3A_85 = arith.cmpi sgt, %scan3A_9#3, %gt3A_84 : vector<16xi32>
      %and3A_86 = arith.andi %eq3A_83, %gt3A_85 : vector<16xi1>
      %or3A_87 = arith.ori %lt3A_81, %and3A_86 : vector<16xi1>
      %jit3A_88 = arith.constant 0xFF800000 : f32
      %broadcast_in_dim3A_89 = vector.broadcast %jit3A_88 : f32 to vector<16xf32>
      %select_n3A_90 = arith.select %or3A_87, %scan3A_9#2, %broadcast_in_dim3A_89 : vector<16xi1>, vector<16xf32>
      %gt3A_91 = arith.cmpf ogt, %select_n3A_90, %select_n3A_78 : vector<16xf32>
      %eq3A_92 = arith.cmpf oeq, %select_n3A_90, %select_n3A_78 : vector<16xf32>
      %lt3A_93 = arith.cmpi slt, %scan3A_9#3, %select_n3A_79 : vector<16xi32>
      %and3A_94 = arith.andi %eq3A_92, %lt3A_93 : vector<16xi1>
      %or3A_95 = arith.ori %gt3A_91, %and3A_94 : vector<16xi1>
      %select_n3A_96 = arith.select %or3A_95, %select_n3A_90, %select_n3A_78 : vector<16xi1>, vector<16xf32>
      %select_n3A_97 = arith.select %or3A_95, %scan3A_9#3, %select_n3A_79 : vector<16xi1>, vector<16xi32>
      %lt3A_98 = vector.broadcast %reduce_max3A_50 : f32 to vector<16xf32>
      %lt3A_99 = arith.cmpf olt, %scan3A_9#4, %lt3A_98 : vector<16xf32>
      %eq3A_100 = vector.broadcast %reduce_max3A_50 : f32 to vector<16xf32>
      %eq3A_101 = arith.cmpf oeq, %scan3A_9#4, %eq3A_100 : vector<16xf32>
      %gt3A_102 = vector.broadcast %reduce_min3A_61 : i32 to vector<16xi32>
      %gt3A_103 = arith.cmpi sgt, %scan3A_9#5, %gt3A_102 : vector<16xi32>
      %and3A_104 = arith.andi %eq3A_101, %gt3A_103 : vector<16xi1>
      %or3A_105 = arith.ori %lt3A_99, %and3A_104 : vector<16xi1>
      %jit3A_106 = arith.constant 0xFF800000 : f32
      %broadcast_in_dim3A_107 = vector.broadcast %jit3A_106 : f32 to vector<16xf32>
      %select_n3A_108 = arith.select %or3A_105, %scan3A_9#4, %broadcast_in_dim3A_107 : vector<16xi1>, vector<16xf32>
      %gt3A_109 = arith.cmpf ogt, %select_n3A_108, %select_n3A_96 : vector<16xf32>
      %eq3A_110 = arith.cmpf oeq, %select_n3A_108, %select_n3A_96 : vector<16xf32>
      %lt3A_111 = arith.cmpi slt, %scan3A_9#5, %select_n3A_97 : vector<16xi32>
      %and3A_112 = arith.andi %eq3A_110, %lt3A_111 : vector<16xi1>
      %or3A_113 = arith.ori %gt3A_109, %and3A_112 : vector<16xi1>
      %select_n3A_114 = arith.select %or3A_113, %select_n3A_108, %select_n3A_96 : vector<16xi1>, vector<16xf32>
      %select_n3A_115 = arith.select %or3A_113, %scan3A_9#5, %select_n3A_97 : vector<16xi1>, vector<16xi32>
      %lt3A_116 = vector.broadcast %reduce_max3A_50 : f32 to vector<16xf32>
      %lt3A_117 = arith.cmpf olt, %scan3A_9#6, %lt3A_116 : vector<16xf32>
      %eq3A_118 = vector.broadcast %reduce_max3A_50 : f32 to vector<16xf32>
      %eq3A_119 = arith.cmpf oeq, %scan3A_9#6, %eq3A_118 : vector<16xf32>
      %gt3A_120 = vector.broadcast %reduce_min3A_61 : i32 to vector<16xi32>
      %gt3A_121 = arith.cmpi sgt, %scan3A_9#7, %gt3A_120 : vector<16xi32>
      %and3A_122 = arith.andi %eq3A_119, %gt3A_121 : vector<16xi1>
      %or3A_123 = arith.ori %lt3A_117, %and3A_122 : vector<16xi1>
      %jit3A_124 = arith.constant 0xFF800000 : f32
      %broadcast_in_dim3A_125 = vector.broadcast %jit3A_124 : f32 to vector<16xf32>
      %select_n3A_126 = arith.select %or3A_123, %scan3A_9#6, %broadcast_in_dim3A_125 : vector<16xi1>, vector<16xf32>
      %gt3A_127 = arith.cmpf ogt, %select_n3A_126, %select_n3A_114 : vector<16xf32>
      %eq3A_128 = arith.cmpf oeq, %select_n3A_126, %select_n3A_114 : vector<16xf32>
      %lt3A_129 = arith.cmpi slt, %scan3A_9#7, %select_n3A_115 : vector<16xi32>
      %and3A_130 = arith.andi %eq3A_128, %lt3A_129 : vector<16xi1>
      %or3A_131 = arith.ori %gt3A_127, %and3A_130 : vector<16xi1>
      %select_n3A_132 = arith.select %or3A_131, %select_n3A_126, %select_n3A_114 : vector<16xi1>, vector<16xf32>
      %select_n3A_133 = arith.select %or3A_131, %scan3A_9#7, %select_n3A_115 : vector<16xi1>, vector<16xi32>
      %lt3A_134 = vector.broadcast %reduce_max3A_50 : f32 to vector<16xf32>
      %lt3A_135 = arith.cmpf olt, %scan3A_9#8, %lt3A_134 : vector<16xf32>
      %eq3A_136 = vector.broadcast %reduce_max3A_50 : f32 to vector<16xf32>
      %eq3A_137 = arith.cmpf oeq, %scan3A_9#8, %eq3A_136 : vector<16xf32>
      %gt3A_138 = vector.broadcast %reduce_min3A_61 : i32 to vector<16xi32>
      %gt3A_139 = arith.cmpi sgt, %scan3A_9#9, %gt3A_138 : vector<16xi32>
      %and3A_140 = arith.andi %eq3A_137, %gt3A_139 : vector<16xi1>
      %or3A_141 = arith.ori %lt3A_135, %and3A_140 : vector<16xi1>
      %jit3A_142 = arith.constant 0xFF800000 : f32
      %broadcast_in_dim3A_143 = vector.broadcast %jit3A_142 : f32 to vector<16xf32>
      %select_n3A_144 = arith.select %or3A_141, %scan3A_9#8, %broadcast_in_dim3A_143 : vector<16xi1>, vector<16xf32>
      %gt3A_145 = arith.cmpf ogt, %select_n3A_144, %select_n3A_132 : vector<16xf32>
      %eq3A_146 = arith.cmpf oeq, %select_n3A_144, %select_n3A_132 : vector<16xf32>
      %lt3A_147 = arith.cmpi slt, %scan3A_9#9, %select_n3A_133 : vector<16xi32>
      %and3A_148 = arith.andi %eq3A_146, %lt3A_147 : vector<16xi1>
      %or3A_149 = arith.ori %gt3A_145, %and3A_148 : vector<16xi1>
      %select_n3A_150 = arith.select %or3A_149, %select_n3A_144, %select_n3A_132 : vector<16xi1>, vector<16xf32>
      %select_n3A_151 = arith.select %or3A_149, %scan3A_9#9, %select_n3A_133 : vector<16xi1>, vector<16xi32>
      %lt3A_152 = vector.broadcast %reduce_max3A_50 : f32 to vector<16xf32>
      %lt3A_153 = arith.cmpf olt, %scan3A_9#10, %lt3A_152 : vector<16xf32>
      %eq3A_154 = vector.broadcast %reduce_max3A_50 : f32 to vector<16xf32>
      %eq3A_155 = arith.cmpf oeq, %scan3A_9#10, %eq3A_154 : vector<16xf32>
      %gt3A_156 = vector.broadcast %reduce_min3A_61 : i32 to vector<16xi32>
      %gt3A_157 = arith.cmpi sgt, %scan3A_9#11, %gt3A_156 : vector<16xi32>
      %and3A_158 = arith.andi %eq3A_155, %gt3A_157 : vector<16xi1>
      %or3A_159 = arith.ori %lt3A_153, %and3A_158 : vector<16xi1>
      %jit3A_160 = arith.constant 0xFF800000 : f32
      %broadcast_in_dim3A_161 = vector.broadcast %jit3A_160 : f32 to vector<16xf32>
      %select_n3A_162 = arith.select %or3A_159, %scan3A_9#10, %broadcast_in_dim3A_161 : vector<16xi1>, vector<16xf32>
      %gt3A_163 = arith.cmpf ogt, %select_n3A_162, %select_n3A_150 : vector<16xf32>
      %eq3A_164 = arith.cmpf oeq, %select_n3A_162, %select_n3A_150 : vector<16xf32>
      %lt3A_165 = arith.cmpi slt, %scan3A_9#11, %select_n3A_151 : vector<16xi32>
      %and3A_166 = arith.andi %eq3A_164, %lt3A_165 : vector<16xi1>
      %or3A_167 = arith.ori %gt3A_163, %and3A_166 : vector<16xi1>
      %select_n3A_168 = arith.select %or3A_167, %select_n3A_162, %select_n3A_150 : vector<16xi1>, vector<16xf32>
      %select_n3A_169 = arith.select %or3A_167, %scan3A_9#11, %select_n3A_151 : vector<16xi1>, vector<16xi32>
      %reduce_max3A_170 = arith.constant true
      %reduce_max3A_171 = vector.broadcast %reduce_max3A_170 : i1 to vector<16xi1>
      %reduce_max3A_172 = tpu.scan <max>, %select_n3A_168 masked %reduce_max3A_171 : vector<16xf32>, vector<16xi1> -> vector<16xf32>
      %reduce_max3A_173 = vector.extract %reduce_max3A_172[15] : f32 from vector<16xf32>
      %eq3A_174 = vector.broadcast %reduce_max3A_173 : f32 to vector<16xf32>
      %eq3A_175 = arith.cmpf oeq, %select_n3A_168, %eq3A_174 : vector<16xf32>
      %jit3A_176 = arith.constant 1073741824 : i32
      %broadcast_in_dim3A_177 = vector.broadcast %jit3A_176 : i32 to vector<16xi32>
      %select_n3A_178 = arith.select %eq3A_175, %select_n3A_169, %broadcast_in_dim3A_177 : vector<16xi1>, vector<16xi32>
      %reduce_min3A_179 = arith.constant true
      %reduce_min3A_180 = vector.broadcast %reduce_min3A_179 : i1 to vector<16xi1>
      %reduce_min3A_181 = arith.constant -2147483648 : i32
      %reduce_min3A_182 = vector.broadcast %reduce_min3A_181 : i32 to vector<16xi32>
      %reduce_min3A_183 = arith.xori %select_n3A_178, %reduce_min3A_182 : vector<16xi32>
      %reduce_min3A_184 = tpu.scan <min>, %reduce_min3A_183 masked %reduce_min3A_180 : vector<16xi32>, vector<16xi1> -> vector<16xi32>
      %reduce_min3A_185 = arith.xori %reduce_min3A_184, %reduce_min3A_182 : vector<16xi32>
      %reduce_min3A_186 = vector.extract %reduce_min3A_185[15] : i32 from vector<16xi32>
      %lt3A_187 = vector.broadcast %reduce_max3A_173 : f32 to vector<16xf32>
      %lt3A_188 = arith.cmpf olt, %scan3A_9#0, %lt3A_187 : vector<16xf32>
      %eq3A_189 = vector.broadcast %reduce_max3A_173 : f32 to vector<16xf32>
      %eq3A_190 = arith.cmpf oeq, %scan3A_9#0, %eq3A_189 : vector<16xf32>
      %gt3A_191 = vector.broadcast %reduce_min3A_186 : i32 to vector<16xi32>
      %gt3A_192 = arith.cmpi sgt, %scan3A_9#1, %gt3A_191 : vector<16xi32>
      %and3A_193 = arith.andi %eq3A_190, %gt3A_192 : vector<16xi1>
      %or3A_194 = arith.ori %lt3A_188, %and3A_193 : vector<16xi1>
      %jit3A_195 = arith.constant 0xFF800000 : f32
      %broadcast_in_dim3A_196 = vector.broadcast %jit3A_195 : f32 to vector<16xf32>
      %select_n3A_197 = arith.select %or3A_194, %scan3A_9#0, %broadcast_in_dim3A_196 : vector<16xi1>, vector<16xf32>
      %gt3A_198 = arith.cmpf ogt, %select_n3A_197, %broadcast_in_dim3A_3 : vector<16xf32>
      %eq3A_199 = arith.cmpf oeq, %select_n3A_197, %broadcast_in_dim3A_3 : vector<16xf32>
      %lt3A_200 = arith.cmpi slt, %scan3A_9#1, %broadcast_in_dim3A_5 : vector<16xi32>
      %and3A_201 = arith.andi %eq3A_199, %lt3A_200 : vector<16xi1>
      %or3A_202 = arith.ori %gt3A_198, %and3A_201 : vector<16xi1>
      %select_n3A_203 = arith.select %or3A_202, %select_n3A_197, %broadcast_in_dim3A_3 : vector<16xi1>, vector<16xf32>
      %select_n3A_204 = arith.select %or3A_202, %scan3A_9#1, %broadcast_in_dim3A_5 : vector<16xi1>, vector<16xi32>
      %lt3A_205 = vector.broadcast %reduce_max3A_173 : f32 to vector<16xf32>
      %lt3A_206 = arith.cmpf olt, %scan3A_9#2, %lt3A_205 : vector<16xf32>
      %eq3A_207 = vector.broadcast %reduce_max3A_173 : f32 to vector<16xf32>
      %eq3A_208 = arith.cmpf oeq, %scan3A_9#2, %eq3A_207 : vector<16xf32>
      %gt3A_209 = vector.broadcast %reduce_min3A_186 : i32 to vector<16xi32>
      %gt3A_210 = arith.cmpi sgt, %scan3A_9#3, %gt3A_209 : vector<16xi32>
      %and3A_211 = arith.andi %eq3A_208, %gt3A_210 : vector<16xi1>
      %or3A_212 = arith.ori %lt3A_206, %and3A_211 : vector<16xi1>
      %jit3A_213 = arith.constant 0xFF800000 : f32
      %broadcast_in_dim3A_214 = vector.broadcast %jit3A_213 : f32 to vector<16xf32>
      %select_n3A_215 = arith.select %or3A_212, %scan3A_9#2, %broadcast_in_dim3A_214 : vector<16xi1>, vector<16xf32>
      %gt3A_216 = arith.cmpf ogt, %select_n3A_215, %select_n3A_203 : vector<16xf32>
      %eq3A_217 = arith.cmpf oeq, %select_n3A_215, %select_n3A_203 : vector<16xf32>
      %lt3A_218 = arith.cmpi slt, %scan3A_9#3, %select_n3A_204 : vector<16xi32>
      %and3A_219 = arith.andi %eq3A_217, %lt3A_218 : vector<16xi1>
      %or3A_220 = arith.ori %gt3A_216, %and3A_219 : vector<16xi1>
      %select_n3A_221 = arith.select %or3A_220, %select_n3A_215, %select_n3A_203 : vector<16xi1>, vector<16xf32>
      %select_n3A_222 = arith.select %or3A_220, %scan3A_9#3, %select_n3A_204 : vector<16xi1>, vector<16xi32>
      %lt3A_223 = vector.broadcast %reduce_max3A_173 : f32 to vector<16xf32>
      %lt3A_224 = arith.cmpf olt, %scan3A_9#4, %lt3A_223 : vector<16xf32>
      %eq3A_225 = vector.broadcast %reduce_max3A_173 : f32 to vector<16xf32>
      %eq3A_226 = arith.cmpf oeq, %scan3A_9#4, %eq3A_225 : vector<16xf32>
      %gt3A_227 = vector.broadcast %reduce_min3A_186 : i32 to vector<16xi32>
      %gt3A_228 = arith.cmpi sgt, %scan3A_9#5, %gt3A_227 : vector<16xi32>
      %and3A_229 = arith.andi %eq3A_226, %gt3A_228 : vector<16xi1>
      %or3A_230 = arith.ori %lt3A_224, %and3A_229 : vector<16xi1>
      %jit3A_231 = arith.constant 0xFF800000 : f32
      %broadcast_in_dim3A_232 = vector.broadcast %jit3A_231 : f32 to vector<16xf32>
      %select_n3A_233 = arith.select %or3A_230, %scan3A_9#4, %broadcast_in_dim3A_232 : vector<16xi1>, vector<16xf32>
      %gt3A_234 = arith.cmpf ogt, %select_n3A_233, %select_n3A_221 : vector<16xf32>
      %eq3A_235 = arith.cmpf oeq, %select_n3A_233, %select_n3A_221 : vector<16xf32>
      %lt3A_236 = arith.cmpi slt, %scan3A_9#5, %select_n3A_222 : vector<16xi32>
      %and3A_237 = arith.andi %eq3A_235, %lt3A_236 : vector<16xi1>
      %or3A_238 = arith.ori %gt3A_234, %and3A_237 : vector<16xi1>
      %select_n3A_239 = arith.select %or3A_238, %select_n3A_233, %select_n3A_221 : vector<16xi1>, vector<16xf32>
      %select_n3A_240 = arith.select %or3A_238, %scan3A_9#5, %select_n3A_222 : vector<16xi1>, vector<16xi32>
      %lt3A_241 = vector.broadcast %reduce_max3A_173 : f32 to vector<16xf32>
      %lt3A_242 = arith.cmpf olt, %scan3A_9#6, %lt3A_241 : vector<16xf32>
      %eq3A_243 = vector.broadcast %reduce_max3A_173 : f32 to vector<16xf32>
      %eq3A_244 = arith.cmpf oeq, %scan3A_9#6, %eq3A_243 : vector<16xf32>
      %gt3A_245 = vector.broadcast %reduce_min3A_186 : i32 to vector<16xi32>
      %gt3A_246 = arith.cmpi sgt, %scan3A_9#7, %gt3A_245 : vector<16xi32>
      %and3A_247 = arith.andi %eq3A_244, %gt3A_246 : vector<16xi1>
      %or3A_248 = arith.ori %lt3A_242, %and3A_247 : vector<16xi1>
      %jit3A_249 = arith.constant 0xFF800000 : f32
      %broadcast_in_dim3A_250 = vector.broadcast %jit3A_249 : f32 to vector<16xf32>
      %select_n3A_251 = arith.select %or3A_248, %scan3A_9#6, %broadcast_in_dim3A_250 : vector<16xi1>, vector<16xf32>
      %gt3A_252 = arith.cmpf ogt, %select_n3A_251, %select_n3A_239 : vector<16xf32>
      %eq3A_253 = arith.cmpf oeq, %select_n3A_251, %select_n3A_239 : vector<16xf32>
      %lt3A_254 = arith.cmpi slt, %scan3A_9#7, %select_n3A_240 : vector<16xi32>
      %and3A_255 = arith.andi %eq3A_253, %lt3A_254 : vector<16xi1>
      %or3A_256 = arith.ori %gt3A_252, %and3A_255 : vector<16xi1>
      %select_n3A_257 = arith.select %or3A_256, %select_n3A_251, %select_n3A_239 : vector<16xi1>, vector<16xf32>
      %select_n3A_258 = arith.select %or3A_256, %scan3A_9#7, %select_n3A_240 : vector<16xi1>, vector<16xi32>
      %lt3A_259 = vector.broadcast %reduce_max3A_173 : f32 to vector<16xf32>
      %lt3A_260 = arith.cmpf olt, %scan3A_9#8, %lt3A_259 : vector<16xf32>
      %eq3A_261 = vector.broadcast %reduce_max3A_173 : f32 to vector<16xf32>
      %eq3A_262 = arith.cmpf oeq, %scan3A_9#8, %eq3A_261 : vector<16xf32>
      %gt3A_263 = vector.broadcast %reduce_min3A_186 : i32 to vector<16xi32>
      %gt3A_264 = arith.cmpi sgt, %scan3A_9#9, %gt3A_263 : vector<16xi32>
      %and3A_265 = arith.andi %eq3A_262, %gt3A_264 : vector<16xi1>
      %or3A_266 = arith.ori %lt3A_260, %and3A_265 : vector<16xi1>
      %jit3A_267 = arith.constant 0xFF800000 : f32
      %broadcast_in_dim3A_268 = vector.broadcast %jit3A_267 : f32 to vector<16xf32>
      %select_n3A_269 = arith.select %or3A_266, %scan3A_9#8, %broadcast_in_dim3A_268 : vector<16xi1>, vector<16xf32>
      %gt3A_270 = arith.cmpf ogt, %select_n3A_269, %select_n3A_257 : vector<16xf32>
      %eq3A_271 = arith.cmpf oeq, %select_n3A_269, %select_n3A_257 : vector<16xf32>
      %lt3A_272 = arith.cmpi slt, %scan3A_9#9, %select_n3A_258 : vector<16xi32>
      %and3A_273 = arith.andi %eq3A_271, %lt3A_272 : vector<16xi1>
      %or3A_274 = arith.ori %gt3A_270, %and3A_273 : vector<16xi1>
      %select_n3A_275 = arith.select %or3A_274, %select_n3A_269, %select_n3A_257 : vector<16xi1>, vector<16xf32>
      %select_n3A_276 = arith.select %or3A_274, %scan3A_9#9, %select_n3A_258 : vector<16xi1>, vector<16xi32>
      %lt3A_277 = vector.broadcast %reduce_max3A_173 : f32 to vector<16xf32>
      %lt3A_278 = arith.cmpf olt, %scan3A_9#10, %lt3A_277 : vector<16xf32>
      %eq3A_279 = vector.broadcast %reduce_max3A_173 : f32 to vector<16xf32>
      %eq3A_280 = arith.cmpf oeq, %scan3A_9#10, %eq3A_279 : vector<16xf32>
      %gt3A_281 = vector.broadcast %reduce_min3A_186 : i32 to vector<16xi32>
      %gt3A_282 = arith.cmpi sgt, %scan3A_9#11, %gt3A_281 : vector<16xi32>
      %and3A_283 = arith.andi %eq3A_280, %gt3A_282 : vector<16xi1>
      %or3A_284 = arith.ori %lt3A_278, %and3A_283 : vector<16xi1>
      %jit3A_285 = arith.constant 0xFF800000 : f32
      %broadcast_in_dim3A_286 = vector.broadcast %jit3A_285 : f32 to vector<16xf32>
      %select_n3A_287 = arith.select %or3A_284, %scan3A_9#10, %broadcast_in_dim3A_286 : vector<16xi1>, vector<16xf32>
      %gt3A_288 = arith.cmpf ogt, %select_n3A_287, %select_n3A_275 : vector<16xf32>
      %eq3A_289 = arith.cmpf oeq, %select_n3A_287, %select_n3A_275 : vector<16xf32>
      %lt3A_290 = arith.cmpi slt, %scan3A_9#11, %select_n3A_276 : vector<16xi32>
      %and3A_291 = arith.andi %eq3A_289, %lt3A_290 : vector<16xi1>
      %or3A_292 = arith.ori %gt3A_288, %and3A_291 : vector<16xi1>
      %select_n3A_293 = arith.select %or3A_292, %select_n3A_287, %select_n3A_275 : vector<16xi1>, vector<16xf32>
      %select_n3A_294 = arith.select %or3A_292, %scan3A_9#11, %select_n3A_276 : vector<16xi1>, vector<16xi32>
      %reduce_max3A_295 = arith.constant true
      %reduce_max3A_296 = vector.broadcast %reduce_max3A_295 : i1 to vector<16xi1>
      %reduce_max3A_297 = tpu.scan <max>, %select_n3A_293 masked %reduce_max3A_296 : vector<16xf32>, vector<16xi1> -> vector<16xf32>
      %reduce_max3A_298 = vector.extract %reduce_max3A_297[15] : f32 from vector<16xf32>
      %eq3A_299 = vector.broadcast %reduce_max3A_298 : f32 to vector<16xf32>
      %eq3A_300 = arith.cmpf oeq, %select_n3A_293, %eq3A_299 : vector<16xf32>
      %jit3A_301 = arith.constant 1073741824 : i32
      %broadcast_in_dim3A_302 = vector.broadcast %jit3A_301 : i32 to vector<16xi32>
      %select_n3A_303 = arith.select %eq3A_300, %select_n3A_294, %broadcast_in_dim3A_302 : vector<16xi1>, vector<16xi32>
      %reduce_min3A_304 = arith.constant true
      %reduce_min3A_305 = vector.broadcast %reduce_min3A_304 : i1 to vector<16xi1>
      %reduce_min3A_306 = arith.constant -2147483648 : i32
      %reduce_min3A_307 = vector.broadcast %reduce_min3A_306 : i32 to vector<16xi32>
      %reduce_min3A_308 = arith.xori %select_n3A_303, %reduce_min3A_307 : vector<16xi32>
      %reduce_min3A_309 = tpu.scan <min>, %reduce_min3A_308 masked %reduce_min3A_305 : vector<16xi32>, vector<16xi1> -> vector<16xi32>
      %reduce_min3A_310 = arith.xori %reduce_min3A_309, %reduce_min3A_307 : vector<16xi32>
      %reduce_min3A_311 = vector.extract %reduce_min3A_310[15] : i32 from vector<16xi32>
      %eq3A_312 = arith.constant 0 : i32
      %eq3A_313 = vector.broadcast %eq3A_312 : i32 to vector<16xi32>
      %eq3A_314 = arith.cmpi eq, %iota3A, %eq3A_313 : vector<16xi32>
      %eq3A_315 = arith.constant 1 : i32
      %eq3A_316 = vector.broadcast %eq3A_315 : i32 to vector<16xi32>
      %eq3A_317 = arith.cmpi eq, %iota3A, %eq3A_316 : vector<16xi32>
      %eq3A_318 = arith.constant 2 : i32
      %eq3A_319 = vector.broadcast %eq3A_318 : i32 to vector<16xi32>
      %eq3A_320 = arith.cmpi eq, %iota3A, %eq3A_319 : vector<16xi32>
      %jit3A_321 = arith.constant 0.000000e+00 : f32
      %broadcast_in_dim3A_322 = vector.broadcast %reduce_max3A_298 : f32 to vector<16xf32>
      %broadcast_in_dim3A_323 = vector.broadcast %jit3A_321 : f32 to vector<16xf32>
      %select_n3A_324 = arith.select %eq3A_320, %broadcast_in_dim3A_322, %broadcast_in_dim3A_323 : vector<16xi1>, vector<16xf32>
      %broadcast_in_dim3A_325 = vector.broadcast %reduce_max3A_173 : f32 to vector<16xf32>
      %select_n3A_326 = arith.select %eq3A_317, %broadcast_in_dim3A_325, %select_n3A_324 : vector<16xi1>, vector<16xf32>
      %broadcast_in_dim3A_327 = vector.broadcast %reduce_max3A_50 : f32 to vector<16xf32>
      %select_n3A_328 = arith.select %eq3A_314, %broadcast_in_dim3A_327, %select_n3A_326 : vector<16xi1>, vector<16xf32>
      %eq3A_329 = arith.constant 0 : i32
      %eq3A_330 = vector.broadcast %eq3A_329 : i32 to vector<16xi32>
      %eq3A_331 = arith.cmpi eq, %iota3A, %eq3A_330 : vector<16xi32>
      %eq3A_332 = arith.constant 1 : i32
      %eq3A_333 = vector.broadcast %eq3A_332 : i32 to vector<16xi32>
      %eq3A_334 = arith.cmpi eq, %iota3A, %eq3A_333 : vector<16xi32>
      %eq3A_335 = arith.constant 2 : i32
      %eq3A_336 = vector.broadcast %eq3A_335 : i32 to vector<16xi32>
      %eq3A_337 = arith.cmpi eq, %iota3A, %eq3A_336 : vector<16xi32>
      %jit3A_338 = arith.constant 0 : i32
      %broadcast_in_dim3A_339 = vector.broadcast %reduce_min3A_311 : i32 to vector<16xi32>
      %broadcast_in_dim3A_340 = vector.broadcast %jit3A_338 : i32 to vector<16xi32>
      %select_n3A_341 = arith.select %eq3A_337, %broadcast_in_dim3A_339, %broadcast_in_dim3A_340 : vector<16xi1>, vector<16xi32>
      %broadcast_in_dim3A_342 = vector.broadcast %reduce_min3A_186 : i32 to vector<16xi32>
      %select_n3A_343 = arith.select %eq3A_334, %broadcast_in_dim3A_342, %select_n3A_341 : vector<16xi1>, vector<16xi32>
      %broadcast_in_dim3A_344 = vector.broadcast %reduce_min3A_61 : i32 to vector<16xi32>
      %select_n3A_345 = arith.select %eq3A_331, %broadcast_in_dim3A_344, %select_n3A_343 : vector<16xi1>, vector<16xi32>
      %swap3A = arith.constant 0 : index
      %swap3A_346 = tpu.vector_load %arg6[%swap3A] {strides = array<i32>} : memref<16xf32, #tpu.memory_space<vmem>>, vector<16xf32>,
      tpu.vector_store %arg6[%swap3A], %select_n3A_328 {strides = array<i32>} : memref<16xf32, #tpu.memory_space<vmem>>, vector<16xf32>,
      %swap3A_347 = arith.constant 0 : index
      %swap3A_348 = tpu.vector_load %arg7[%swap3A_347] {strides = array<i32>} : memref<16xi32, #tpu.memory_space<vmem>>, vector<16xi32>,
      tpu.vector_store %arg7[%swap3A_347], %select_n3A_345 {strides = array<i32>} : memref<16xi32, #tpu.memory_space<vmem>>, vector<16xi32>,
      "tpu.region"() ({
        %run_scoped3A = tpu.sem_alloc : memref<!tpu.dma_semaphore, #tpu.memory_space<semaphore_mem>>
        tpu.enqueue_dma source(%arg6 : memref<16xf32, #tpu.memory_space<vmem>>) target(%arg3 : memref<16xf32, #tpu.memory_space<hbm>>) target_semaphore(%run_scoped3A : memref<!tpu.dma_semaphore, #tpu.memory_space<semaphore_mem>>)
        tpu.wait_dma2 semaphore(%run_scoped3A : memref<!tpu.dma_semaphore, #tpu.memory_space<semaphore_mem>>) src(%arg6 : memref<16xf32, #tpu.memory_space<vmem>>) dst(%arg3 : memref<16xf32, #tpu.memory_space<hbm>>)
        tpu.yield
      }) : () -> ()
      "tpu.region"() ({
        %run_scoped3A = tpu.sem_alloc : memref<!tpu.dma_semaphore, #tpu.memory_space<semaphore_mem>>
        tpu.enqueue_dma source(%arg7 : memref<16xi32, #tpu.memory_space<vmem>>) target(%arg4 : memref<16xi32, #tpu.memory_space<hbm>>) target_semaphore(%run_scoped3A : memref<!tpu.dma_semaphore, #tpu.memory_space<semaphore_mem>>)
        tpu.wait_dma2 semaphore(%run_scoped3A : memref<!tpu.dma_semaphore, #tpu.memory_space<semaphore_mem>>) src(%arg7 : memref<16xi32, #tpu.memory_space<vmem>>) dst(%arg4 : memref<16xi32, #tpu.memory_space<hbm>>)
        tpu.yield
      }) : () -> ()
    } else {
    }
    return
  }
}

module attributes {stable_mosaic.version = 14 : i64} {
  func.func @_dense_body(%arg0: memref<1x256xf32, #tpu.memory_space<vmem>>, %arg1: memref<1000x7x256xf32, #tpu.memory_space<vmem>>, %arg2: memref<8x1x128xf32, #tpu.memory_space<vmem>>) attributes {dimension_semantics = [], scalar_prefetch = 0 : i64, scratch_operands = 0 : i64, tpu.core_type = #tpu.core_type<tc>} {
    %get3A = arith.constant 0 : index
    %get3A_0 = arith.constant 0 : index
    %get3A_1 = vector.load %arg0[%get3A, %get3A_0] : memref<1x256xf32, #tpu.memory_space<vmem>>, vector<1x256xf32>
    %get3A_2 = vector.shape_cast %get3A_1 : vector<1x256xf32> to vector<256xf32>
    %mul3A = arith.mulf %get3A_2, %get3A_2 : vector<256xf32>
    %reduce_sum3A = vector.shape_cast %mul3A : vector<256xf32> to vector<1x256xf32>
    %reduce_sum3A_3 = arith.constant dense<0.000000e+00> : vector<1xf32>
    %reduce_sum3A_4 = vector.multi_reduction <add>, %reduce_sum3A, %reduce_sum3A_3 [1] : vector<1x256xf32> to vector<1xf32>
    %reduce_sum3A_5 = vector.shape_cast %reduce_sum3A_4 : vector<1xf32> to vector<1x1xf32>
    %reduce_sum3A_6 = vector.extract %reduce_sum3A_5[0, 0] : f32 from vector<1x1xf32>
    %sqrt3A = math.sqrt %reduce_sum3A_6 : f32
    %max3A = arith.constant 9.99999993E-9 : f32
    %max3A_7 = arith.maximumf %sqrt3A, %max3A : f32
    %get3A_8 = arith.constant 0 : index
    %get3A_9 = arith.constant 0 : index
    %get3A_10 = arith.constant 0 : index
    %get3A_11 = vector.load %arg1[%get3A_8, %get3A_9, %get3A_10] : memref<1000x7x256xf32, #tpu.memory_space<vmem>>, vector<128x7x256xf32>
    %reduce_sum3A_12 = arith.constant dense<0.000000e+00> : vector<128x256xf32>
    %reduce_sum3A_13 = vector.multi_reduction <add>, %get3A_11, %reduce_sum3A_12 [1] : vector<128x7x256xf32> to vector<128x256xf32>
    %broadcast_in_dim3A = vector.shape_cast %get3A_2 : vector<256xf32> to vector<1x256xf32>
    %mul3A_14 = vector.broadcast %broadcast_in_dim3A : vector<1x256xf32> to vector<128x256xf32>
    %mul3A_15 = arith.mulf %reduce_sum3A_13, %mul3A_14 : vector<128x256xf32>
    %reduce_sum3A_16 = arith.constant dense<0.000000e+00> : vector<128xf32>
    %reduce_sum3A_17 = vector.multi_reduction <add>, %mul3A_15, %reduce_sum3A_16 [1] : vector<128x256xf32> to vector<128xf32>
    %mul3A_18 = arith.mulf %reduce_sum3A_13, %reduce_sum3A_13 : vector<128x256xf32>
    %reduce_sum3A_19 = arith.constant dense<0.000000e+00> : vector<128xf32>
    %reduce_sum3A_20 = vector.multi_reduction <add>, %mul3A_18, %reduce_sum3A_19 [1] : vector<128x256xf32> to vector<128xf32>
    %sqrt3A_21 = math.sqrt %reduce_sum3A_20 : vector<128xf32>
    %mul3A_22 = arith.constant 0.142857149 : f32
    %mul3A_23 = vector.broadcast %mul3A_22 : f32 to vector<128xf32>
    %mul3A_24 = arith.mulf %sqrt3A_21, %mul3A_23 : vector<128xf32>
    %max3A_25 = arith.constant 9.99999993E-9 : f32
    %max3A_26 = vector.broadcast %max3A_25 : f32 to vector<128xf32>
    %max3A_27 = arith.maximumf %mul3A_24, %max3A_26 : vector<128xf32>
    %mul3A_28 = arith.constant 0.142857149 : f32
    %mul3A_29 = vector.broadcast %mul3A_28 : f32 to vector<128xf32>
    %mul3A_30 = arith.mulf %reduce_sum3A_17, %mul3A_29 : vector<128xf32>
    %mul3A_31 = vector.broadcast %max3A_7 : f32 to vector<128xf32>
    %mul3A_32 = arith.mulf %max3A_27, %mul3A_31 : vector<128xf32>
    %div3A = arith.divf %mul3A_30, %mul3A_32 : vector<128xf32>
    %iota3A = tpu.iota {dimensions = array<i32: 1>} : vector<1x128xi32>
    %iota3A_33 = vector.shape_cast %iota3A : vector<1x128xi32> to vector<128xi32>
    %add3A = arith.constant 0 : i32
    %add3A_34 = vector.broadcast %add3A : i32 to vector<128xi32>
    %add3A_35 = arith.addi %add3A_34, %iota3A_33 : vector<128xi32>
    %lt3A = arith.constant 1000 : i32
    %lt3A_36 = vector.broadcast %lt3A : i32 to vector<128xi32>
    %lt3A_37 = arith.cmpi slt, %add3A_35, %lt3A_36 : vector<128xi32>
    %jit3A = arith.constant 0xFF800000 : f32
    %broadcast_in_dim3A_38 = vector.broadcast %jit3A : f32 to vector<128xf32>
    %select_n3A = arith.select %lt3A_37, %div3A, %broadcast_in_dim3A_38 : vector<128xi1>, vector<128xf32>
    %reshape3A = vector.shape_cast %select_n3A : vector<128xf32> to vector<1x128xf32>
    %swap3A = arith.constant 0 : index
    %swap3A_39 = arith.constant 0 : index
    %swap3A_40 = arith.constant 0 : index
    %swap3A_41 = vector.load %arg2[%swap3A, %swap3A_39, %swap3A_40] : memref<8x1x128xf32, #tpu.memory_space<vmem>>, vector<1x1x128xf32>
    %swap3A_42 = vector.shape_cast %swap3A_41 : vector<1x1x128xf32> to vector<1x128xf32>
    %swap3A_43 = vector.shape_cast %reshape3A : vector<1x128xf32> to vector<1x1x128xf32>
    tpu.vector_store %arg2[%swap3A, %swap3A_39, %swap3A_40], %swap3A_43 {strides = array<i32>} : memref<8x1x128xf32, #tpu.memory_space<vmem>>, vector<1x1x128xf32>,
    %get3A_44 = arith.constant 128 : index
    %get3A_45 = arith.constant 0 : index
    %get3A_46 = arith.constant 0 : index
    %get3A_47 = vector.load %arg1[%get3A_44, %get3A_45, %get3A_46] : memref<1000x7x256xf32, #tpu.memory_space<vmem>>, vector<128x7x256xf32>
    %reduce_sum3A_48 = arith.constant dense<0.000000e+00> : vector<128x256xf32>
    %reduce_sum3A_49 = vector.multi_reduction <add>, %get3A_47, %reduce_sum3A_48 [1] : vector<128x7x256xf32> to vector<128x256xf32>
    %broadcast_in_dim3A_50 = vector.shape_cast %get3A_2 : vector<256xf32> to vector<1x256xf32>
    %mul3A_51 = vector.broadcast %broadcast_in_dim3A_50 : vector<1x256xf32> to vector<128x256xf32>
    %mul3A_52 = arith.mulf %reduce_sum3A_49, %mul3A_51 : vector<128x256xf32>
    %reduce_sum3A_53 = arith.constant dense<0.000000e+00> : vector<128xf32>
    %reduce_sum3A_54 = vector.multi_reduction <add>, %mul3A_52, %reduce_sum3A_53 [1] : vector<128x256xf32> to vector<128xf32>
    %mul3A_55 = arith.mulf %reduce_sum3A_49, %reduce_sum3A_49 : vector<128x256xf32>
    %reduce_sum3A_56 = arith.constant dense<0.000000e+00> : vector<128xf32>
    %reduce_sum3A_57 = vector.multi_reduction <add>, %mul3A_55, %reduce_sum3A_56 [1] : vector<128x256xf32> to vector<128xf32>
    %sqrt3A_58 = math.sqrt %reduce_sum3A_57 : vector<128xf32>
    %mul3A_59 = arith.constant 0.142857149 : f32
    %mul3A_60 = vector.broadcast %mul3A_59 : f32 to vector<128xf32>
    %mul3A_61 = arith.mulf %sqrt3A_58, %mul3A_60 : vector<128xf32>
    %max3A_62 = arith.constant 9.99999993E-9 : f32
    %max3A_63 = vector.broadcast %max3A_62 : f32 to vector<128xf32>
    %max3A_64 = arith.maximumf %mul3A_61, %max3A_63 : vector<128xf32>
    %mul3A_65 = arith.constant 0.142857149 : f32
    %mul3A_66 = vector.broadcast %mul3A_65 : f32 to vector<128xf32>
    %mul3A_67 = arith.mulf %reduce_sum3A_54, %mul3A_66 : vector<128xf32>
    %mul3A_68 = vector.broadcast %max3A_7 : f32 to vector<128xf32>
    %mul3A_69 = arith.mulf %max3A_64, %mul3A_68 : vector<128xf32>
    %div3A_70 = arith.divf %mul3A_67, %mul3A_69 : vector<128xf32>
    %iota3A_71 = tpu.iota {dimensions = array<i32: 1>} : vector<1x128xi32>
    %iota3A_72 = vector.shape_cast %iota3A_71 : vector<1x128xi32> to vector<128xi32>
    %add3A_73 = arith.constant 128 : i32
    %add3A_74 = vector.broadcast %add3A_73 : i32 to vector<128xi32>
    %add3A_75 = arith.addi %add3A_74, %iota3A_72 : vector<128xi32>
    %lt3A_76 = arith.constant 1000 : i32
    %lt3A_77 = vector.broadcast %lt3A_76 : i32 to vector<128xi32>
    %lt3A_78 = arith.cmpi slt, %add3A_75, %lt3A_77 : vector<128xi32>
    %jit3A_79 = arith.constant 0xFF800000 : f32
    %broadcast_in_dim3A_80 = vector.broadcast %jit3A_79 : f32 to vector<128xf32>
    %select_n3A_81 = arith.select %lt3A_78, %div3A_70, %broadcast_in_dim3A_80 : vector<128xi1>, vector<128xf32>
    %reshape3A_82 = vector.shape_cast %select_n3A_81 : vector<128xf32> to vector<1x128xf32>
    %swap3A_83 = arith.constant 1 : index
    %swap3A_84 = arith.constant 0 : index
    %swap3A_85 = arith.constant 0 : index
    %swap3A_86 = vector.load %arg2[%swap3A_83, %swap3A_84, %swap3A_85] : memref<8x1x128xf32, #tpu.memory_space<vmem>>, vector<1x1x128xf32>
    %swap3A_87 = vector.shape_cast %swap3A_86 : vector<1x1x128xf32> to vector<1x128xf32>
    %swap3A_88 = vector.shape_cast %reshape3A_82 : vector<1x128xf32> to vector<1x1x128xf32>
    tpu.vector_store %arg2[%swap3A_83, %swap3A_84, %swap3A_85], %swap3A_88 {strides = array<i32>} : memref<8x1x128xf32, #tpu.memory_space<vmem>>, vector<1x1x128xf32>,
    %get3A_89 = arith.constant 256 : index
    %get3A_90 = arith.constant 0 : index
    %get3A_91 = arith.constant 0 : index
    %get3A_92 = vector.load %arg1[%get3A_89, %get3A_90, %get3A_91] : memref<1000x7x256xf32, #tpu.memory_space<vmem>>, vector<128x7x256xf32>
    %reduce_sum3A_93 = arith.constant dense<0.000000e+00> : vector<128x256xf32>
    %reduce_sum3A_94 = vector.multi_reduction <add>, %get3A_92, %reduce_sum3A_93 [1] : vector<128x7x256xf32> to vector<128x256xf32>
    %broadcast_in_dim3A_95 = vector.shape_cast %get3A_2 : vector<256xf32> to vector<1x256xf32>
    %mul3A_96 = vector.broadcast %broadcast_in_dim3A_95 : vector<1x256xf32> to vector<128x256xf32>
    %mul3A_97 = arith.mulf %reduce_sum3A_94, %mul3A_96 : vector<128x256xf32>
    %reduce_sum3A_98 = arith.constant dense<0.000000e+00> : vector<128xf32>
    %reduce_sum3A_99 = vector.multi_reduction <add>, %mul3A_97, %reduce_sum3A_98 [1] : vector<128x256xf32> to vector<128xf32>
    %mul3A_100 = arith.mulf %reduce_sum3A_94, %reduce_sum3A_94 : vector<128x256xf32>
    %reduce_sum3A_101 = arith.constant dense<0.000000e+00> : vector<128xf32>
    %reduce_sum3A_102 = vector.multi_reduction <add>, %mul3A_100, %reduce_sum3A_101 [1] : vector<128x256xf32> to vector<128xf32>
    %sqrt3A_103 = math.sqrt %reduce_sum3A_102 : vector<128xf32>
    %mul3A_104 = arith.constant 0.142857149 : f32
    %mul3A_105 = vector.broadcast %mul3A_104 : f32 to vector<128xf32>
    %mul3A_106 = arith.mulf %sqrt3A_103, %mul3A_105 : vector<128xf32>
    %max3A_107 = arith.constant 9.99999993E-9 : f32
    %max3A_108 = vector.broadcast %max3A_107 : f32 to vector<128xf32>
    %max3A_109 = arith.maximumf %mul3A_106, %max3A_108 : vector<128xf32>
    %mul3A_110 = arith.constant 0.142857149 : f32
    %mul3A_111 = vector.broadcast %mul3A_110 : f32 to vector<128xf32>
    %mul3A_112 = arith.mulf %reduce_sum3A_99, %mul3A_111 : vector<128xf32>
    %mul3A_113 = vector.broadcast %max3A_7 : f32 to vector<128xf32>
    %mul3A_114 = arith.mulf %max3A_109, %mul3A_113 : vector<128xf32>
    %div3A_115 = arith.divf %mul3A_112, %mul3A_114 : vector<128xf32>
    %iota3A_116 = tpu.iota {dimensions = array<i32: 1>} : vector<1x128xi32>
    %iota3A_117 = vector.shape_cast %iota3A_116 : vector<1x128xi32> to vector<128xi32>
    %add3A_118 = arith.constant 256 : i32
    %add3A_119 = vector.broadcast %add3A_118 : i32 to vector<128xi32>
    %add3A_120 = arith.addi %add3A_119, %iota3A_117 : vector<128xi32>
    %lt3A_121 = arith.constant 1000 : i32
    %lt3A_122 = vector.broadcast %lt3A_121 : i32 to vector<128xi32>
    %lt3A_123 = arith.cmpi slt, %add3A_120, %lt3A_122 : vector<128xi32>
    %jit3A_124 = arith.constant 0xFF800000 : f32
    %broadcast_in_dim3A_125 = vector.broadcast %jit3A_124 : f32 to vector<128xf32>
    %select_n3A_126 = arith.select %lt3A_123, %div3A_115, %broadcast_in_dim3A_125 : vector<128xi1>, vector<128xf32>
    %reshape3A_127 = vector.shape_cast %select_n3A_126 : vector<128xf32> to vector<1x128xf32>
    %swap3A_128 = arith.constant 2 : index
    %swap3A_129 = arith.constant 0 : index
    %swap3A_130 = arith.constant 0 : index
    %swap3A_131 = vector.load %arg2[%swap3A_128, %swap3A_129, %swap3A_130] : memref<8x1x128xf32, #tpu.memory_space<vmem>>, vector<1x1x128xf32>
    %swap3A_132 = vector.shape_cast %swap3A_131 : vector<1x1x128xf32> to vector<1x128xf32>
    %swap3A_133 = vector.shape_cast %reshape3A_127 : vector<1x128xf32> to vector<1x1x128xf32>
    tpu.vector_store %arg2[%swap3A_128, %swap3A_129, %swap3A_130], %swap3A_133 {strides = array<i32>} : memref<8x1x128xf32, #tpu.memory_space<vmem>>, vector<1x1x128xf32>,
    %get3A_134 = arith.constant 384 : index
    %get3A_135 = arith.constant 0 : index
    %get3A_136 = arith.constant 0 : index
    %get3A_137 = vector.load %arg1[%get3A_134, %get3A_135, %get3A_136] : memref<1000x7x256xf32, #tpu.memory_space<vmem>>, vector<128x7x256xf32>
    %reduce_sum3A_138 = arith.constant dense<0.000000e+00> : vector<128x256xf32>
    %reduce_sum3A_139 = vector.multi_reduction <add>, %get3A_137, %reduce_sum3A_138 [1] : vector<128x7x256xf32> to vector<128x256xf32>
    %broadcast_in_dim3A_140 = vector.shape_cast %get3A_2 : vector<256xf32> to vector<1x256xf32>
    %mul3A_141 = vector.broadcast %broadcast_in_dim3A_140 : vector<1x256xf32> to vector<128x256xf32>
    %mul3A_142 = arith.mulf %reduce_sum3A_139, %mul3A_141 : vector<128x256xf32>
    %reduce_sum3A_143 = arith.constant dense<0.000000e+00> : vector<128xf32>
    %reduce_sum3A_144 = vector.multi_reduction <add>, %mul3A_142, %reduce_sum3A_143 [1] : vector<128x256xf32> to vector<128xf32>
    %mul3A_145 = arith.mulf %reduce_sum3A_139, %reduce_sum3A_139 : vector<128x256xf32>
    %reduce_sum3A_146 = arith.constant dense<0.000000e+00> : vector<128xf32>
    %reduce_sum3A_147 = vector.multi_reduction <add>, %mul3A_145, %reduce_sum3A_146 [1] : vector<128x256xf32> to vector<128xf32>
    %sqrt3A_148 = math.sqrt %reduce_sum3A_147 : vector<128xf32>
    %mul3A_149 = arith.constant 0.142857149 : f32
    %mul3A_150 = vector.broadcast %mul3A_149 : f32 to vector<128xf32>
    %mul3A_151 = arith.mulf %sqrt3A_148, %mul3A_150 : vector<128xf32>
    %max3A_152 = arith.constant 9.99999993E-9 : f32
    %max3A_153 = vector.broadcast %max3A_152 : f32 to vector<128xf32>
    %max3A_154 = arith.maximumf %mul3A_151, %max3A_153 : vector<128xf32>
    %mul3A_155 = arith.constant 0.142857149 : f32
    %mul3A_156 = vector.broadcast %mul3A_155 : f32 to vector<128xf32>
    %mul3A_157 = arith.mulf %reduce_sum3A_144, %mul3A_156 : vector<128xf32>
    %mul3A_158 = vector.broadcast %max3A_7 : f32 to vector<128xf32>
    %mul3A_159 = arith.mulf %max3A_154, %mul3A_158 : vector<128xf32>
    %div3A_160 = arith.divf %mul3A_157, %mul3A_159 : vector<128xf32>
    %iota3A_161 = tpu.iota {dimensions = array<i32: 1>} : vector<1x128xi32>
    %iota3A_162 = vector.shape_cast %iota3A_161 : vector<1x128xi32> to vector<128xi32>
    %add3A_163 = arith.constant 384 : i32
    %add3A_164 = vector.broadcast %add3A_163 : i32 to vector<128xi32>
    %add3A_165 = arith.addi %add3A_164, %iota3A_162 : vector<128xi32>
    %lt3A_166 = arith.constant 1000 : i32
    %lt3A_167 = vector.broadcast %lt3A_166 : i32 to vector<128xi32>
    %lt3A_168 = arith.cmpi slt, %add3A_165, %lt3A_167 : vector<128xi32>
    %jit3A_169 = arith.constant 0xFF800000 : f32
    %broadcast_in_dim3A_170 = vector.broadcast %jit3A_169 : f32 to vector<128xf32>
    %select_n3A_171 = arith.select %lt3A_168, %div3A_160, %broadcast_in_dim3A_170 : vector<128xi1>, vector<128xf32>
    %reshape3A_172 = vector.shape_cast %select_n3A_171 : vector<128xf32> to vector<1x128xf32>
    %swap3A_173 = arith.constant 3 : index
    %swap3A_174 = arith.constant 0 : index
    %swap3A_175 = arith.constant 0 : index
    %swap3A_176 = vector.load %arg2[%swap3A_173, %swap3A_174, %swap3A_175] : memref<8x1x128xf32, #tpu.memory_space<vmem>>, vector<1x1x128xf32>
    %swap3A_177 = vector.shape_cast %swap3A_176 : vector<1x1x128xf32> to vector<1x128xf32>
    %swap3A_178 = vector.shape_cast %reshape3A_172 : vector<1x128xf32> to vector<1x1x128xf32>
    tpu.vector_store %arg2[%swap3A_173, %swap3A_174, %swap3A_175], %swap3A_178 {strides = array<i32>} : memref<8x1x128xf32, #tpu.memory_space<vmem>>, vector<1x1x128xf32>,
    %get3A_179 = arith.constant 512 : index
    %get3A_180 = arith.constant 0 : index
    %get3A_181 = arith.constant 0 : index
    %get3A_182 = vector.load %arg1[%get3A_179, %get3A_180, %get3A_181] : memref<1000x7x256xf32, #tpu.memory_space<vmem>>, vector<128x7x256xf32>
    %reduce_sum3A_183 = arith.constant dense<0.000000e+00> : vector<128x256xf32>
    %reduce_sum3A_184 = vector.multi_reduction <add>, %get3A_182, %reduce_sum3A_183 [1] : vector<128x7x256xf32> to vector<128x256xf32>
    %broadcast_in_dim3A_185 = vector.shape_cast %get3A_2 : vector<256xf32> to vector<1x256xf32>
    %mul3A_186 = vector.broadcast %broadcast_in_dim3A_185 : vector<1x256xf32> to vector<128x256xf32>
    %mul3A_187 = arith.mulf %reduce_sum3A_184, %mul3A_186 : vector<128x256xf32>
    %reduce_sum3A_188 = arith.constant dense<0.000000e+00> : vector<128xf32>
    %reduce_sum3A_189 = vector.multi_reduction <add>, %mul3A_187, %reduce_sum3A_188 [1] : vector<128x256xf32> to vector<128xf32>
    %mul3A_190 = arith.mulf %reduce_sum3A_184, %reduce_sum3A_184 : vector<128x256xf32>
    %reduce_sum3A_191 = arith.constant dense<0.000000e+00> : vector<128xf32>
    %reduce_sum3A_192 = vector.multi_reduction <add>, %mul3A_190, %reduce_sum3A_191 [1] : vector<128x256xf32> to vector<128xf32>
    %sqrt3A_193 = math.sqrt %reduce_sum3A_192 : vector<128xf32>
    %mul3A_194 = arith.constant 0.142857149 : f32
    %mul3A_195 = vector.broadcast %mul3A_194 : f32 to vector<128xf32>
    %mul3A_196 = arith.mulf %sqrt3A_193, %mul3A_195 : vector<128xf32>
    %max3A_197 = arith.constant 9.99999993E-9 : f32
    %max3A_198 = vector.broadcast %max3A_197 : f32 to vector<128xf32>
    %max3A_199 = arith.maximumf %mul3A_196, %max3A_198 : vector<128xf32>
    %mul3A_200 = arith.constant 0.142857149 : f32
    %mul3A_201 = vector.broadcast %mul3A_200 : f32 to vector<128xf32>
    %mul3A_202 = arith.mulf %reduce_sum3A_189, %mul3A_201 : vector<128xf32>
    %mul3A_203 = vector.broadcast %max3A_7 : f32 to vector<128xf32>
    %mul3A_204 = arith.mulf %max3A_199, %mul3A_203 : vector<128xf32>
    %div3A_205 = arith.divf %mul3A_202, %mul3A_204 : vector<128xf32>
    %iota3A_206 = tpu.iota {dimensions = array<i32: 1>} : vector<1x128xi32>
    %iota3A_207 = vector.shape_cast %iota3A_206 : vector<1x128xi32> to vector<128xi32>
    %add3A_208 = arith.constant 512 : i32
    %add3A_209 = vector.broadcast %add3A_208 : i32 to vector<128xi32>
    %add3A_210 = arith.addi %add3A_209, %iota3A_207 : vector<128xi32>
    %lt3A_211 = arith.constant 1000 : i32
    %lt3A_212 = vector.broadcast %lt3A_211 : i32 to vector<128xi32>
    %lt3A_213 = arith.cmpi slt, %add3A_210, %lt3A_212 : vector<128xi32>
    %jit3A_214 = arith.constant 0xFF800000 : f32
    %broadcast_in_dim3A_215 = vector.broadcast %jit3A_214 : f32 to vector<128xf32>
    %select_n3A_216 = arith.select %lt3A_213, %div3A_205, %broadcast_in_dim3A_215 : vector<128xi1>, vector<128xf32>
    %reshape3A_217 = vector.shape_cast %select_n3A_216 : vector<128xf32> to vector<1x128xf32>
    %swap3A_218 = arith.constant 4 : index
    %swap3A_219 = arith.constant 0 : index
    %swap3A_220 = arith.constant 0 : index
    %swap3A_221 = vector.load %arg2[%swap3A_218, %swap3A_219, %swap3A_220] : memref<8x1x128xf32, #tpu.memory_space<vmem>>, vector<1x1x128xf32>
    %swap3A_222 = vector.shape_cast %swap3A_221 : vector<1x1x128xf32> to vector<1x128xf32>
    %swap3A_223 = vector.shape_cast %reshape3A_217 : vector<1x128xf32> to vector<1x1x128xf32>
    tpu.vector_store %arg2[%swap3A_218, %swap3A_219, %swap3A_220], %swap3A_223 {strides = array<i32>} : memref<8x1x128xf32, #tpu.memory_space<vmem>>, vector<1x1x128xf32>,
    %get3A_224 = arith.constant 640 : index
    %get3A_225 = arith.constant 0 : index
    %get3A_226 = arith.constant 0 : index
    %get3A_227 = vector.load %arg1[%get3A_224, %get3A_225, %get3A_226] : memref<1000x7x256xf32, #tpu.memory_space<vmem>>, vector<128x7x256xf32>
    %reduce_sum3A_228 = arith.constant dense<0.000000e+00> : vector<128x256xf32>
    %reduce_sum3A_229 = vector.multi_reduction <add>, %get3A_227, %reduce_sum3A_228 [1] : vector<128x7x256xf32> to vector<128x256xf32>
    %broadcast_in_dim3A_230 = vector.shape_cast %get3A_2 : vector<256xf32> to vector<1x256xf32>
    %mul3A_231 = vector.broadcast %broadcast_in_dim3A_230 : vector<1x256xf32> to vector<128x256xf32>
    %mul3A_232 = arith.mulf %reduce_sum3A_229, %mul3A_231 : vector<128x256xf32>
    %reduce_sum3A_233 = arith.constant dense<0.000000e+00> : vector<128xf32>
    %reduce_sum3A_234 = vector.multi_reduction <add>, %mul3A_232, %reduce_sum3A_233 [1] : vector<128x256xf32> to vector<128xf32>
    %mul3A_235 = arith.mulf %reduce_sum3A_229, %reduce_sum3A_229 : vector<128x256xf32>
    %reduce_sum3A_236 = arith.constant dense<0.000000e+00> : vector<128xf32>
    %reduce_sum3A_237 = vector.multi_reduction <add>, %mul3A_235, %reduce_sum3A_236 [1] : vector<128x256xf32> to vector<128xf32>
    %sqrt3A_238 = math.sqrt %reduce_sum3A_237 : vector<128xf32>
    %mul3A_239 = arith.constant 0.142857149 : f32
    %mul3A_240 = vector.broadcast %mul3A_239 : f32 to vector<128xf32>
    %mul3A_241 = arith.mulf %sqrt3A_238, %mul3A_240 : vector<128xf32>
    %max3A_242 = arith.constant 9.99999993E-9 : f32
    %max3A_243 = vector.broadcast %max3A_242 : f32 to vector<128xf32>
    %max3A_244 = arith.maximumf %mul3A_241, %max3A_243 : vector<128xf32>
    %mul3A_245 = arith.constant 0.142857149 : f32
    %mul3A_246 = vector.broadcast %mul3A_245 : f32 to vector<128xf32>
    %mul3A_247 = arith.mulf %reduce_sum3A_234, %mul3A_246 : vector<128xf32>
    %mul3A_248 = vector.broadcast %max3A_7 : f32 to vector<128xf32>
    %mul3A_249 = arith.mulf %max3A_244, %mul3A_248 : vector<128xf32>
    %div3A_250 = arith.divf %mul3A_247, %mul3A_249 : vector<128xf32>
    %iota3A_251 = tpu.iota {dimensions = array<i32: 1>} : vector<1x128xi32>
    %iota3A_252 = vector.shape_cast %iota3A_251 : vector<1x128xi32> to vector<128xi32>
    %add3A_253 = arith.constant 640 : i32
    %add3A_254 = vector.broadcast %add3A_253 : i32 to vector<128xi32>
    %add3A_255 = arith.addi %add3A_254, %iota3A_252 : vector<128xi32>
    %lt3A_256 = arith.constant 1000 : i32
    %lt3A_257 = vector.broadcast %lt3A_256 : i32 to vector<128xi32>
    %lt3A_258 = arith.cmpi slt, %add3A_255, %lt3A_257 : vector<128xi32>
    %jit3A_259 = arith.constant 0xFF800000 : f32
    %broadcast_in_dim3A_260 = vector.broadcast %jit3A_259 : f32 to vector<128xf32>
    %select_n3A_261 = arith.select %lt3A_258, %div3A_250, %broadcast_in_dim3A_260 : vector<128xi1>, vector<128xf32>
    %reshape3A_262 = vector.shape_cast %select_n3A_261 : vector<128xf32> to vector<1x128xf32>
    %swap3A_263 = arith.constant 5 : index
    %swap3A_264 = arith.constant 0 : index
    %swap3A_265 = arith.constant 0 : index
    %swap3A_266 = vector.load %arg2[%swap3A_263, %swap3A_264, %swap3A_265] : memref<8x1x128xf32, #tpu.memory_space<vmem>>, vector<1x1x128xf32>
    %swap3A_267 = vector.shape_cast %swap3A_266 : vector<1x1x128xf32> to vector<1x128xf32>
    %swap3A_268 = vector.shape_cast %reshape3A_262 : vector<1x128xf32> to vector<1x1x128xf32>
    tpu.vector_store %arg2[%swap3A_263, %swap3A_264, %swap3A_265], %swap3A_268 {strides = array<i32>} : memref<8x1x128xf32, #tpu.memory_space<vmem>>, vector<1x1x128xf32>,
    %get3A_269 = arith.constant 768 : index
    %get3A_270 = arith.constant 0 : index
    %get3A_271 = arith.constant 0 : index
    %get3A_272 = vector.load %arg1[%get3A_269, %get3A_270, %get3A_271] : memref<1000x7x256xf32, #tpu.memory_space<vmem>>, vector<128x7x256xf32>
    %reduce_sum3A_273 = arith.constant dense<0.000000e+00> : vector<128x256xf32>
    %reduce_sum3A_274 = vector.multi_reduction <add>, %get3A_272, %reduce_sum3A_273 [1] : vector<128x7x256xf32> to vector<128x256xf32>
    %broadcast_in_dim3A_275 = vector.shape_cast %get3A_2 : vector<256xf32> to vector<1x256xf32>
    %mul3A_276 = vector.broadcast %broadcast_in_dim3A_275 : vector<1x256xf32> to vector<128x256xf32>
    %mul3A_277 = arith.mulf %reduce_sum3A_274, %mul3A_276 : vector<128x256xf32>
    %reduce_sum3A_278 = arith.constant dense<0.000000e+00> : vector<128xf32>
    %reduce_sum3A_279 = vector.multi_reduction <add>, %mul3A_277, %reduce_sum3A_278 [1] : vector<128x256xf32> to vector<128xf32>
    %mul3A_280 = arith.mulf %reduce_sum3A_274, %reduce_sum3A_274 : vector<128x256xf32>
    %reduce_sum3A_281 = arith.constant dense<0.000000e+00> : vector<128xf32>
    %reduce_sum3A_282 = vector.multi_reduction <add>, %mul3A_280, %reduce_sum3A_281 [1] : vector<128x256xf32> to vector<128xf32>
    %sqrt3A_283 = math.sqrt %reduce_sum3A_282 : vector<128xf32>
    %mul3A_284 = arith.constant 0.142857149 : f32
    %mul3A_285 = vector.broadcast %mul3A_284 : f32 to vector<128xf32>
    %mul3A_286 = arith.mulf %sqrt3A_283, %mul3A_285 : vector<128xf32>
    %max3A_287 = arith.constant 9.99999993E-9 : f32
    %max3A_288 = vector.broadcast %max3A_287 : f32 to vector<128xf32>
    %max3A_289 = arith.maximumf %mul3A_286, %max3A_288 : vector<128xf32>
    %mul3A_290 = arith.constant 0.142857149 : f32
    %mul3A_291 = vector.broadcast %mul3A_290 : f32 to vector<128xf32>
    %mul3A_292 = arith.mulf %reduce_sum3A_279, %mul3A_291 : vector<128xf32>
    %mul3A_293 = vector.broadcast %max3A_7 : f32 to vector<128xf32>
    %mul3A_294 = arith.mulf %max3A_289, %mul3A_293 : vector<128xf32>
    %div3A_295 = arith.divf %mul3A_292, %mul3A_294 : vector<128xf32>
    %iota3A_296 = tpu.iota {dimensions = array<i32: 1>} : vector<1x128xi32>
    %iota3A_297 = vector.shape_cast %iota3A_296 : vector<1x128xi32> to vector<128xi32>
    %add3A_298 = arith.constant 768 : i32
    %add3A_299 = vector.broadcast %add3A_298 : i32 to vector<128xi32>
    %add3A_300 = arith.addi %add3A_299, %iota3A_297 : vector<128xi32>
    %lt3A_301 = arith.constant 1000 : i32
    %lt3A_302 = vector.broadcast %lt3A_301 : i32 to vector<128xi32>
    %lt3A_303 = arith.cmpi slt, %add3A_300, %lt3A_302 : vector<128xi32>
    %jit3A_304 = arith.constant 0xFF800000 : f32
    %broadcast_in_dim3A_305 = vector.broadcast %jit3A_304 : f32 to vector<128xf32>
    %select_n3A_306 = arith.select %lt3A_303, %div3A_295, %broadcast_in_dim3A_305 : vector<128xi1>, vector<128xf32>
    %reshape3A_307 = vector.shape_cast %select_n3A_306 : vector<128xf32> to vector<1x128xf32>
    %swap3A_308 = arith.constant 6 : index
    %swap3A_309 = arith.constant 0 : index
    %swap3A_310 = arith.constant 0 : index
    %swap3A_311 = vector.load %arg2[%swap3A_308, %swap3A_309, %swap3A_310] : memref<8x1x128xf32, #tpu.memory_space<vmem>>, vector<1x1x128xf32>
    %swap3A_312 = vector.shape_cast %swap3A_311 : vector<1x1x128xf32> to vector<1x128xf32>
    %swap3A_313 = vector.shape_cast %reshape3A_307 : vector<1x128xf32> to vector<1x1x128xf32>
    tpu.vector_store %arg2[%swap3A_308, %swap3A_309, %swap3A_310], %swap3A_313 {strides = array<i32>} : memref<8x1x128xf32, #tpu.memory_space<vmem>>, vector<1x1x128xf32>,
    %get3A_314 = arith.constant 896 : index
    %get3A_315 = arith.constant 0 : index
    %get3A_316 = arith.constant 0 : index
    %get3A_317 = vector.load %arg1[%get3A_314, %get3A_315, %get3A_316] : memref<1000x7x256xf32, #tpu.memory_space<vmem>>, vector<104x7x256xf32>
    %reduce_sum3A_318 = arith.constant dense<0.000000e+00> : vector<104x256xf32>
    %reduce_sum3A_319 = vector.multi_reduction <add>, %get3A_317, %reduce_sum3A_318 [1] : vector<104x7x256xf32> to vector<104x256xf32>
    %broadcast_in_dim3A_320 = vector.shape_cast %get3A_2 : vector<256xf32> to vector<1x256xf32>
    %mul3A_321 = vector.broadcast %broadcast_in_dim3A_320 : vector<1x256xf32> to vector<104x256xf32>
    %mul3A_322 = arith.mulf %reduce_sum3A_319, %mul3A_321 : vector<104x256xf32>
    %reduce_sum3A_323 = arith.constant dense<0.000000e+00> : vector<104xf32>
    %reduce_sum3A_324 = vector.multi_reduction <add>, %mul3A_322, %reduce_sum3A_323 [1] : vector<104x256xf32> to vector<104xf32>
    %mul3A_325 = arith.mulf %reduce_sum3A_319, %reduce_sum3A_319 : vector<104x256xf32>
    %reduce_sum3A_326 = arith.constant dense<0.000000e+00> : vector<104xf32>
    %reduce_sum3A_327 = vector.multi_reduction <add>, %mul3A_325, %reduce_sum3A_326 [1] : vector<104x256xf32> to vector<104xf32>
    %sqrt3A_328 = math.sqrt %reduce_sum3A_327 : vector<104xf32>
    %mul3A_329 = arith.constant 0.142857149 : f32
    %mul3A_330 = vector.broadcast %mul3A_329 : f32 to vector<104xf32>
    %mul3A_331 = arith.mulf %sqrt3A_328, %mul3A_330 : vector<104xf32>
    %max3A_332 = arith.constant 9.99999993E-9 : f32
    %max3A_333 = vector.broadcast %max3A_332 : f32 to vector<104xf32>
    %max3A_334 = arith.maximumf %mul3A_331, %max3A_333 : vector<104xf32>
    %mul3A_335 = arith.constant 0.142857149 : f32
    %mul3A_336 = vector.broadcast %mul3A_335 : f32 to vector<104xf32>
    %mul3A_337 = arith.mulf %reduce_sum3A_324, %mul3A_336 : vector<104xf32>
    %mul3A_338 = vector.broadcast %max3A_7 : f32 to vector<104xf32>
    %mul3A_339 = arith.mulf %max3A_334, %mul3A_338 : vector<104xf32>
    %div3A_340 = arith.divf %mul3A_337, %mul3A_339 : vector<104xf32>
    %jit3A_341 = arith.constant 0xFF800000 : f32
    %pad3A = vector.broadcast %jit3A_341 : f32 to vector<24xf32>
    %pad3A_342 = tpu.concatenate %div3A_340, %pad3A in 0 : vector<104xf32>, vector<24xf32> -> vector<128xf32>
    %iota3A_343 = tpu.iota {dimensions = array<i32: 1>} : vector<1x128xi32>
    %iota3A_344 = vector.shape_cast %iota3A_343 : vector<1x128xi32> to vector<128xi32>
    %add3A_345 = arith.constant 896 : i32
    %add3A_346 = vector.broadcast %add3A_345 : i32 to vector<128xi32>
    %add3A_347 = arith.addi %add3A_346, %iota3A_344 : vector<128xi32>
    %lt3A_348 = arith.constant 1000 : i32
    %lt3A_349 = vector.broadcast %lt3A_348 : i32 to vector<128xi32>
    %lt3A_350 = arith.cmpi slt, %add3A_347, %lt3A_349 : vector<128xi32>
    %jit3A_351 = arith.constant 0xFF800000 : f32
    %broadcast_in_dim3A_352 = vector.broadcast %jit3A_351 : f32 to vector<128xf32>
    %select_n3A_353 = arith.select %lt3A_350, %pad3A_342, %broadcast_in_dim3A_352 : vector<128xi1>, vector<128xf32>
    %reshape3A_354 = vector.shape_cast %select_n3A_353 : vector<128xf32> to vector<1x128xf32>
    %swap3A_355 = arith.constant 7 : index
    %swap3A_356 = arith.constant 0 : index
    %swap3A_357 = arith.constant 0 : index
    %swap3A_358 = vector.load %arg2[%swap3A_355, %swap3A_356, %swap3A_357] : memref<8x1x128xf32, #tpu.memory_space<vmem>>, vector<1x1x128xf32>
    %swap3A_359 = vector.shape_cast %swap3A_358 : vector<1x1x128xf32> to vector<1x128xf32>
    %swap3A_360 = vector.shape_cast %reshape3A_354 : vector<1x128xf32> to vector<1x1x128xf32>
    tpu.vector_store %arg2[%swap3A_355, %swap3A_356, %swap3A_357], %swap3A_360 {strides = array<i32>} : memref<8x1x128xf32, #tpu.memory_space<vmem>>, vector<1x1x128xf32>,
    return
  }
}

module attributes {stable_mosaic.version = 14 : i64} {
  func.func @_gather_body(%arg0: i32, %arg1: memref<16xi32, #tpu.memory_space<smem>>, %arg2: memref<1x7x256xf32, #tpu.memory_space<vmem>>, %arg3: memref<1x7x256xf32, #tpu.memory_space<vmem>>) attributes {dimension_semantics = [#tpu.dimension_semantics<arbitrary>], iteration_bounds = array<i64: 1>, scalar_prefetch = 1 : i64, scratch_operands = 0 : i64, tpu.core_type = #tpu.core_type<tc>, window_params = [{transform_indices = @transform_0, window_bounds = array<i64: 1, 7, 256>}, {pipeline_mode = #tpu.pipeline_mode<synchronous>, transform_indices = @transform_1, window_bounds = array<i64: 1, 7, 256>}]} {
    %get3A = arith.constant 0 : index
    %get3A_0 = arith.constant 0 : index
    %get3A_1 = arith.constant 0 : index
    %get3A_2 = vector.load %arg2[%get3A, %get3A_0, %get3A_1] : memref<1x7x256xf32, #tpu.memory_space<vmem>>, vector<1x7x256xf32>
    %swap3A = arith.constant 0 : index
    %swap3A_3 = arith.constant 0 : index
    %swap3A_4 = arith.constant 0 : index
    %swap3A_5 = vector.load %arg3[%swap3A, %swap3A_3, %swap3A_4] : memref<1x7x256xf32, #tpu.memory_space<vmem>>, vector<1x7x256xf32>
    tpu.vector_store %arg3[%swap3A, %swap3A_3, %swap3A_4], %get3A_2 {strides = array<i32>} : memref<1x7x256xf32, #tpu.memory_space<vmem>>, vector<1x7x256xf32>,
    return
  }
  func.func @transform_0(%arg0: i32, %arg1: memref<16xi32, #tpu.memory_space<smem>>) -> (i32, i32, i32) {
    %get3A = arith.constant 0 : index
    %get3A_0 = memref.load %arg1[%get3A] : memref<16xi32, #tpu.memory_space<smem>>
    %c0_i32 = arith.constant 0 : i32
    %c0_i32_1 = arith.constant 0 : i32
    %c0_i32_2 = arith.constant 0 : i32
    return %get3A_0, %c0_i32, %c0_i32_1 : i32, i32, i32
  }
  func.func @transform_1(%arg0: i32, %arg1: memref<16xi32, #tpu.memory_space<smem>>) -> (i32, i32, i32) {
    %c0_i32 = arith.constant 0 : i32
    %c0_i32_0 = arith.constant 0 : i32
    %c0_i32_1 = arith.constant 0 : i32
    %c0_i32_2 = arith.constant 0 : i32
    return %c0_i32, %c0_i32_0, %c0_i32_1 : i32, i32, i32
  }
}

</mosaic_0001>

<sc_bundles>
// kernel: kernel.5.cloned.1.call-start
scs
__scs_entry_jumppad:
0x0: {  	(pc) =	sbr.rel $0x88, $3  }
0x1: {  	(tag) =	ssettag $0x0;
	lr =	simm.s32 $0x1  }
0x2: {  	[smem:$0x3F9F] =	sst lr;
	_ =	strace $0xD0000000  }
0x3: {  	_ = 	snop  }
0x4: {  	_ = 	snop  }
0x5: {  	_ = 	snop  }
0x6: {  	_ = 	snop  }
0x7: {  	_ = 	snop  }
__scs_overlays_trampoline_lowered:
0x8: {  	[smem:$0x3FAE] =	sst s0  }
0x9: {  	[smem:$0x3FAF] =	sst s1  }
0xa: {  	[smem:$0x3FB0] =	sst s2  }
0xb: {  	[smem:$0x3FB1] =	sst s3  }
0xc: {  	[smem:$0x3FB2] =	sst s4  }
0xd: {  	[smem:$0x3FB3] =	sst s5  }
0xe: {  	[smem:$0x3FB4] =	sst s6  }
0xf: {  	[smem:$0x3FB5] =	sst s7  }
0x10: {  	[smem:$0x3FB6] =	sst s8  }
0x11: {  	[smem:$0x3FB7] =	sst s9;
	s0 =	simm.s32 @!p0 $0x0  }
0x12: {  	s1 =	sld [smem:$0x3F9D];
	s0 =	simm.s32 @p0 $0x1  }
0x13: {  	[smem:$0x3FB8] =	sst s0;
	s0 =	simm.s32 @!p1 $0x0  }
0x14: {  	s2 =	sld [smem:$0x3F9C];
	s0 =	simm.s32 @p1 $0x1  }
0x15: {  	[smem:$0x3FB9] =	sst s0;
	s0 =	simm.s32 @!p2 $0x0  }
0x16: {  	s3 =	sld [smem:$0x3FDB];
	s0 =	simm.s32 @p2 $0x1  }
0x17: {  	s4 =	simm.s32 $0x1BF5;
	[smem:$0x3FBB] =	sst s0  }
0x18: {  	s0 =	sld [smem:$0x3F9E];
	_ =	swait.ge [sflag:s4], $0x0  }
0x19: {  	s7 =	sld [smem:$0x3F9F]  }
0x1a: {  	s8 =	sadd.s32 $0xFFFFE003, lr  }
0x1b: {  	s9 =	sadd.s32 $0xFFFFFEF7, lr;
	s5 =	simm.s32 $0xFFFFFFFF;
	p2 =	slt.u32 s8, $0xFFFFF086  }
0x1c: {  	p1 =	slt.u32 s9, $0xF7A;
	s5 =	simm.s32 @!p2 $0x0  }
0x1d: {  	s5 =	simm.s32 @p1 $0x1;
	p0 =	seq.s32 s7, s2  }
0x1e: {  	s7 =	smul.u32 @!p0 $0xF7A, s2;
	p2 =	seq.s32 @!p0 s5, $0x0  }
0x1f: {  	s9 =	smul.u32 $0xF7A, s1;
	s8 =	simm.s32 @!p0 $0x1BF5;
	p2 =	por !p2, p0  }
0x20: {  	[sflag:s8] =	ssyncset.s32 @!p0 $0xFFFFF086;
	s6 =	sadd.s32 @!p0 s3, s7;
	s7 =	simm.s32 @!p0 $0x108  }
0x21: {  	s3 =	sadd.s32 s3, s9;
	s6 =	sadd.s32 @!p0 $0x88, s6;
	s7 =	simm.s32 @p2 $0x1082  }
0x22: {  	[simem:s7], [sflag:s8] =	dma.local @!p0 [hbm:s6], $0xF7A  }
0x23: {  	s9 =	sor.u32 $0xD0000000, s2;
	s6 =	simm.s32 $0x108;
	_ =	swait.ge @!p0 [sflag:s8], $0x0  }
0x24: {  	s3 =	sadd.s32 $0x88, s3;
	s6 =	simm.s32 @!p1 $0x1082;
	[sflag:s4] =	ssyncset.s32 $0xFFFFF086  }
0x25: {  	[simem:s6], [sflag:s4] =	dma.local [hbm:s3], $0xF7A  }
0x26: {  	[smem:$0x3F9F] =	sst s1;
	(tag) =	ssettag s2;
	_ =	strace s9  }
0x27: {  	s1 =	sld [smem:$0x3FAF]  }
0x28: {  	s2 =	sld [smem:$0x3FB0]  }
0x29: {  	s4 =	sld [smem:$0x3FB2]  }
0x2a: {  	p0 =	seq.s32 s5, $0x0;
	s5 =	sld [smem:$0x3FB3]  }
0x2b: {  	s6 =	sld [smem:$0x3FB4]  }
0x2c: {  	s7 =	sld [smem:$0x3FB5]  }
0x2d: {  	s3 =	simm.s32 $0x108;
	s8 =	sld [smem:$0x3FB6]  }
0x2e: {  	s3 =	simm.s32 @!p0 $0x1082;
	s9 =	sld [smem:$0x3FB7]  }
0x2f: {  	lr =	sadd.s32 s0, s3;
	s0 =	sld [smem:$0x3FAE]  }
0x30: {  	s3 =	sld [smem:$0x3FB1]  }
0x31: {  	[smem:$0x3FBA] =	sst s10  }
0x32: {  	s10 =	sld [smem:$0x3FB8];
	_ =	sdelay $0x3  }
0x33: {  	p0 =	seq.s32 s10, $0x1;
	s10 =	sld [smem:$0x3FBA];
	_ =	sdelay $0x3  }
0x34: {  	[smem:$0x3FBA] =	sst s10  }
0x35: {  	s10 =	sld [smem:$0x3FB9];
	_ =	sdelay $0x3  }
0x36: {  	p1 =	seq.s32 s10, $0x1;
	s10 =	sld [smem:$0x3FBA];
	_ =	sdelay $0x3  }
0x37: {  	[smem:$0x3FBA] =	sst s10  }
0x38: {  	s10 =	sld [smem:$0x3FBB]  }
0x39: {  	_ = 	snop;
	(pc) =	sbr.ind lr, $3  }
0x3a: {  	_ = 	snop  }
0x3b: {  	_ = 	snop  }
0x3c: {  	p2 =	seq.s32 s10, $0x1;
	s10 =	sld [smem:$0x3FBA]  }
0x3d: {  	_ =	shalt  }
0x3e: {  	_ =	shalt  }
0x3f: {  	_ =	shalt  }
0x40: {  	_ =	shalt  }
0x41: {  	_ =	shalt  }
0x42: {  	_ =	shalt  }
0x43: {  	_ =	shalt  }
0x44: {  	_ =	shalt  }
0x45: {  	_ =	shalt  }
0x46: {  	_ =	shalt  }
0x47: {  	_ =	shalt  }
0x48: {  	_ =	shalt  }
0x49: {  	_ =	shalt  }
0x4a: {  	_ =	shalt  }
0x4b: {  	_ =	shalt  }
0x4c: {  	_ =	shalt  }
0x4d: {  	_ =	shalt  }
0x4e: {  	_ =	shalt  }
0x4f: {  	_ =	shalt  }
0x50: {  	_ =	shalt  }
0x51: {  	_ =	shalt  }
0x52: {  	_ =	shalt  }
0x53: {  	_ =	shalt  }
0x54: {  	_ =	shalt  }
0x55: {  	_ =	shalt  }
0x56: {  	_ =	shalt  }
0x57: {  	_ =	shalt  }
0x58: {  	_ =	shalt  }
0x59: {  	_ =	shalt  }
0x5a: {  	_ =	shalt  }
0x5b: {  	_ =	shalt  }
0x5c: {  	_ =	shalt  }
0x5d: {  	_ =	shalt  }
0x5e: {  	_ =	shalt  }
0x5f: {  	_ =	shalt  }
0x60: {  	_ =	shalt  }
0x61: {  	_ =	shalt  }
0x62: {  	_ =	shalt  }
0x63: {  	_ =	shalt  }
0x64: {  	_ =	shalt  }
0x65: {  	_ =	shalt  }
0x66: {  	_ =	shalt  }
0x67: {  	_ =	shalt  }
0x68: {  	_ =	shalt  }
0x69: {  	_ =	shalt  }
0x6a: {  	_ =	shalt  }
0x6b: {  	_ =	shalt  }
0x6c: {  	_ =	shalt  }
0x6d: {  	_ =	shalt  }
0x6e: {  	_ =	shalt  }
0x6f: {  	_ =	shalt  }
0x70: {  	_ =	shalt  }
0x71: {  	_ =	shalt  }
0x72: {  	_ =	shalt  }
0x73: {  	_ =	shalt  }
0x74: {  	_ =	shalt  }
0x75: {  	_ =	shalt  }
0x76: {  	_ =	shalt  }
0x77: {  	_ =	shalt  }
0x78: {  	_ =	shalt  }
0x79: {  	_ =	shalt  }
0x7a: {  	_ =	shalt  }
0x7b: {  	_ =	shalt  }
0x7c: {  	_ =	shalt  }
0x7d: {  	_ =	shalt  }
0x7e: {  	_ =	shalt  }
0x7f: {  	_ =	shalt  }
0x80: {  	_ =	shalt  }
0x81: {  	_ =	shalt  }
0x82: {  	_ =	shalt  }
0x83: {  	_ =	shalt  }
0x84: {  	_ =	shalt  }
0x85: {  	_ =	shalt  }
0x86: {  	_ =	shalt  }
0x87: {  	_ =	shalt  }
.Lfunc_end0:
.L_simem_size_0:
called_computation_lowered:
.L_overlay_start_0:
0x88: {  	s0 =	sld [smem:$0x3FD9]  }
0x89: {  	s1 =	sld [smem:$0x3FFE];
	_ =	sdelay $0x3  }
0x8a: {  	s0 =	sadd.s32 s1, s0  }
0x8b: {  	[smem:$0x3FC6] =	sst s0  }
0x8c: {  	_ = 	snop  }
0x8d: {  	s0 =	sld [smem:$0x3FD0];
	_ =	sdelay $0x2  }
0x8e: {  	s14 =	simm.s32 $0xA;
	s2 =	simm.s32 $0x10  }
0x8f: {  	[smem:s2], [sflag:s14] =	dma.local [hbm:s0], $0x1  }
0x90: {  	_ =	swait.eq [sflag:s14], $0x1  }
0x91: {  	s15 =	sld [smem:$0x10];
	[sflag:s14] =	ssyncset.done $0x0  }
0x92: {  	s16 =	sld [smem:$0x11];
	[sflag:s14] =	ssyncadd.s32 $0xFFFFFFFF  }
0x93: {  	s17 =	sld [smem:$0x12];
	(tm) =	ssettm $0x1  }
0x94: {  	s3 =	sld [smem:$0x3FFB];
	_ =	sdelay $0x3  }
0x95: {  	_ =	strace s3  }
0x96: {  	s3 =	sld [smem:$0x3FFC];
	_ =	sdelay $0x3  }
0x97: {  	_ =	strace s3  }
0x98: {  	s3 =	sld [smem:$0x3FFD];
	_ =	sdelay $0x3  }
0x99: {  	_ =	strace s3  }
0x9a: {  	_ =	strace $0x8FFFFFFF  }
0x9b: {  	s18 =	sld [smem:$0x3FDB];
	_ =	sdelay $0x1  }
0x9c: {  	s4 =	simm.s32 $_scs_section_size  }
0x9d: {  	s5 =	simm.s32 $_size__tile_overlayer_lowered;
	s6 =	simm.s32 $_tile_overlayer_lowered  }
0x9e: {  	s21 =	simm.s32 $0x1BFF;
	s20 =	sshll.u32 s6, $0x1;
	s3 =	sadd.s32 s4, s18  }
0x9f: {  	s7 =	simm.s32 $0x0;
	s19 =	sshll.u32 s5, $0x1;
	s5 =	sadd.s32 s20, s3  }
0xa0: {  	[timem:s7], [sflag:s21] =	dma.local [hbm:s5], s19  }
0xa1: {  	_ =	swait.ge [sflag:s21], s19  }
0xa2: {  	s4 =	ssub.s32 $0x0, s19;
	[sflag:s21] =	ssyncset.done $0x0  }
0xa3: {  	[sflag:s21] =	ssyncadd.s32 s4;
	_ =	sdelay $0x1  }
0xa4: {  	s22 =	simm.s32 $0x1B8B  }
0xa5: {  	_ =	swait.ge [sflag:s22], $0x1  }
0xa6: {  	[sflag:s22] =	ssyncset.done $0x0  }
0xa7: {  	s23 =	simm.s32 $0x1B8E;
	[sflag:s22] =	ssyncadd.s32 $0xFFFFFFFF  }
0xa8: {  	s24 =	simm.s32 $execute0_lowered;
	[smem:$0x3FD2] =	sst s23  }
0xa9: {  	s4 =	sshll.u32 s24, $0x1;
	_ =	strace $0x80000046;
	[dreg:$0x1] =	wrdreg $0xFFFFFFFF  }
0xaa: {  	s25 =	simm.s32 $_size_execute0_lowered;
	s3 =	sadd.s32 s3, s4;
	[dreg:$0x0] =	wrdreg $0x0  }
0xab: {  	s4 =	sshll.u32 s25, $0x1;
	[dreg:$0x2] =	wrdreg s3  }
0xac: {  	[dreg:$0x3] =	wrdreg s4  }
0xad: {  	[dreg:$0x4] =	wrdreg $0xC0  }
0xae: {  	_ =	task [dreg:s7], $0x5FFFF  }
0xaf: {  	[dreg:$0x1] =	wrdreg $0xFFFFFFFF  }
0xb0: {  	[dreg:$0x0] =	wrdreg $0x60  }
0xb1: {  	[dreg:$0x2] =	wrdreg s15  }
0xb2: {  	[dreg:$0x3] =	wrdreg s16  }
0xb3: {  	[dreg:$0x4] =	wrdreg s17  }
0xb4: {  	[dreg:$0x5] =	wrdreg $0x9  }
0xb5: {  	_ =	task.clear_ibuf [dreg:s7], $0x6FFFF;
	_ =	strace $0x90000046  }
0xb6: {  	s26 =	simm.s32 $0x9;
	_ =	strace $0x80000048  }
0xb7: {  	_ =	swait.ge [sflag:s26], $0x1  }
0xb8: {  	[sflag:s26] =	ssyncadd.s32 $0xFFFFFFFF  }
0xb9: {  	_ =	strace $0x90000048  }
0xba: {  	_ =	sfence  }
0xbb: {  	s28 =	sld [smem:$0x0];
	_ =	sdelay $0x1  }
0xbc: {  	s29 =	srdreg.scid  }
0xbd: {  	s30 =	sshll.u32 s29, $0xD;
	s31 =	sshrl.u32 s29, $0x2  }
0xbe: {  	s1 =	sand.u32 $0x1, s29;
	s2 =	sand.u32 $0x4000, s30;
	s0 =	sadd.s32 s31, s28  }
0xbf: {  	s1 =	sor.u32 s2, s1;
	s0 =	sshll.u32 s0, $0x11  }
0xc0: {  	s0 =	sor.u32 s0, s1  }
0xc1: {  	s0 =	sadd.s32 $0x8F2B, s0  }
0xc2: {  	[sflag:s0] =	ssyncadd.remote.s32 $0x1  }
0xc3: {  	_ =	sfence.sel $0xFFFF  }
0xc4: {  	[dreg:$0x0] =	wrdreg $0xFFFFFFFF;
	(pc) =	sbr.abs _section_cstart, $3  }
0xc5: {  	[dreg:$0x1] =	wrdreg $0xFFFFFFFF  }
0xc6: {  	_ =	task.clear_ibuf [dreg:s7], $0x2FFFF;
	_ =	strace $0x9FFFFFFF  }
0xc7: {  	(tm) =	ssettm $0x7FFFFFFF  }
tec
execute0_lowered:
.L_overlay_start_1:
0x0: {  	(tag) =	ssettag $0x1  }
0x1: {  	s3 =	rddreg [dreg:$0x0]  }
0x2: {  	s2 =	rddreg [dreg:$0x1]  }
0x3: {  	s1 =	rddreg [dreg:$0x2];
	s4 =	stileid.u32  }
0x4: {  	s0 =	rddreg [dreg:$0x3];
	_ =	strace $0x80000047;
	p0 =	sne.s32 s4, $0x0  }
0x5: {  	_ =	sfence.sel @p0 $0x180000  }
0x6: {  	[bflag:$0x0] =	sbarrier.arrive @p0 $0xFFFF  }
0x7: {  	_ =	strace @p0 $0x90000047  }
0x8: {  	[bflag:$0x2] =	sbarrier.arrive @p0 $0xFFFF  }
0x9: {  	_ =	shalt @p0  }
.LBB2_1:
0xa: {  	s4 =	simm.s32 $0x0;
	s25 =	simm.s32 $0x1  }
0xb: {  	[tilespmem:s4], [sflag:$0x1] =	stream.linear.gather [hbm4b:s3+s4], $0x400, $0x38;
	[tilespmem:$0x500] =	vst v63  }
0xc: {  	_ =	swait.ge [sflag:s25], $0x400  }
0xd: {  	[sflag:s25] =	ssyncset.done $0x0  }
0xe: {  	s26 =	simm.s32 $0x10;
	[sflag:s25] =	ssyncadd.s32 $0xFFFFFC00  }
0xf: {  	v0 =	vld [tilespmem:s26+$0x0]  }
0x10: {  	v1 =	vld [tilespmem:s26+$0xFFFFFFF0];
	_ =	sdelay $0x1  }
0x11: {  	v6 =	vlaneseq.u32;
	s29 =	simm.s32 $0x30  }
0x12: {  	v5 =	vimm.f32 $-Inf;
	v4 =	vimm.s32 $0x40000000;
	s28 =	simm.s32 $0x10;
	s30 =	simm.s32 $0x20;
	v2 =	vor.u32 s4, v6;
	v21 =	vld [tilespmem:s29+$0xFFFFFFF0]  }
0x13: {  	v3 =	vor.u32 s28, v6;
	v20 =	vor.u32 s30, v6;
	vm0 =	vgt.f32 v0, v5  }
0x14: {  	vm1 =	vgt.f32 v1, v5;
	v8 =	vsel vm0, v5, v0;
	v14 =	vsel vm0, v4, v3  }
0x15: {  	v15 =	vld [tilespmem:s29+$0x0];
	v7 =	vsel vm1, v5, v1;
	v18 =	vsel vm1, v1, v5;
	v1 =	vsel vm1, v4, v2  }
0x16: {  	v10 =	vsel vm1, v2, v4;
	v11 =	vsel vm0, v0, v5;
	v13 =	vsel vm0, v3, v4  }
0x17: {  	vm2 =	vgt.f32 v8, v5;
	vm3 =	vgt.f32 v7, v5;
	vm0 =	vgt.f32 v21, v18  }
0x18: {  	v17 =	vsel vm2, v5, v8;
	v22 =	vsel vm3, v7, v5;
	v16 =	vsel vm3, v5, v7  }
0x19: {  	v12 =	vsel vm3, v4, v1;
	v7 =	vsel vm3, v1, v4;
	v9 =	vsel vm2, v8, v5  }
0x1a: {  	v0 =	vsel vm2, v4, v14;
	v8 =	vsel vm2, v14, v4;
	vm2 =	vgt.f32 v15, v11  }
0x1b: {  	v1 =	vsel vm0, v21, v18;
	v23 =	vsel vm0, v18, v21;
	v21 =	vsel vm0, v10, v20  }
0x1c: {  	vm1 =	vgt.f32 v17, v5;
	v19 =	vsel vm2, v11, v15;
	vm3 =	vgt.f32 v23, v22  }
0x1d: {  	s31 =	simm.s32 $0x30;
	vm4 =	vgt.f32 v16, v5;
	v3 =	vsel vm1, v17, v5;
	v2 =	vsel vm1, v0, v4  }
0x1e: {  	v17 =	vor.u32 s31, v6;
	vm1 =	vgt.f32 v19, v9;
	v0 =	vsel vm3, v23, v22  }
0x1f: {  	s3 =	simm.s32 $0x40;
	s4 =	simm.s32 $0x50;
	v22 =	vsel vm3, v22, v23;
	v14 =	vsel vm2, v13, v17;
	v18 =	vsel vm1, v9, v19  }
.LBB2_2:
0x20: {  	v23 =	vld [tilespmem:s4+$0x0];
	p0 =	sne.s32 s3, $0x3E0;
	v5 =	vsel vm4, v16, v5;
	v4 =	vsel vm4, v12, v4;
	v12 =	vsel vm3, v7, v21;
	v16 =	vmovc v22;
	s5 =	smov.u32 s3;
	s3 =	sadd.s32 $0x20, s3  }
0x21: {  	v10 =	vsel vm0, v20, v10;
	v7 =	vsel vm3, v21, v7;
	v9 =	vsel vm1, v19, v9;
	v22 =	vld [tilespmem:s4+$0xFFFFFFF0]  }
0x22: {  	v11 =	vsel vm2, v15, v11;
	v15 =	vsel vm1, v8, v14;
	vm0 =	vgt.f32 v18, v3  }
0x23: {  	v13 =	vsel vm2, v17, v13;
	v3 =	vsel vm0, v18, v3;
	v2 =	vsel vm0, v15, v2  }
0x24: {  	v8 =	vsel vm1, v14, v8;
	s6 =	sadd.s32 $0x10, s5  }
.Ltmp0:
0x25: {  	v20 =	vor.u32 s5, v6;
	v17 =	vor.u32 s6, v6;
	vm2 =	vgt.f32 v23, v11;
	v15 =	vmovc v23;
	(pc) =	sbr.rel @p0 .LBB2_2-.Ltmp0, $4  }
0x26: {  	vm0 =	vgt.f32 v22, v1;
	v19 =	vsel vm2, v11, v15;
	v14 =	vsel vm2, v13, v17  }
0x27: {  	v23 =	vsel vm0, v1, v22;
	v1 =	vsel vm0, v22, v1;
	vm1 =	vgt.f32 v19, v9  }
0x28: {  	v21 =	vsel vm0, v10, v20;
	vm3 =	vgt.f32 v23, v0;
	v18 =	vsel vm1, v9, v19  }
0x29: {  	s4 =	sadd.s32 $0x20, s4;
	vm4 =	vgt.f32 v16, v5;
	v22 =	vsel vm3, v0, v23;
	v0 =	vsel vm3, v23, v0  }
0x2a: {  	v10 =	vsel vm0, v20, v10;
	vm5 =	vlt.f32 v1, $-Inf  }
0x2b: {  	vm6 =	vgt.f32 v1, $-Inf;
	vm7 =	veq.f32 v1, $-Inf;
	vm0 =	vlt.s32 v10, $0x40000000  }
0x2c: {  	vm5 =	vmor vm6, vm5;
	vm15 =	vmand vm7, vm0  }
0x2d: {  	v6 =	vsel vm3, v7, v21;
	vm5 =	vmor vm5, vm15  }
0x2e: {  	v26 =	vsel vm3, v21, v7;
	v27 =	vnsel vm5, $0xFF800000, v1;
	v28 =	vnsel vm5, $0x40000000, v10  }
0x2f: {  	v5 =	vsel vm4, v16, v5;
	vm9 =	veq.f32 v0, v27;
	vm5 =	vlt.s32 v26, v28  }
0x30: {  	vm10 =	vgt.f32 v22, v5;
	vm11 =	vgt.f32 v0, v27;
	vm3 =	vmand vm9, vm5  }
0x31: {  	v4 =	vsel vm4, v12, v4;
	v29 =	vsel vm10, v22, v5;
	vm3 =	vmor vm11, vm3  }
0x32: {  	v6 =	vsel vm10, v6, v4;
	v30 =	vsel vm3, v0, v27;
	v31 =	vsel vm3, v26, v28  }
0x33: {  	vm12 =	veq.f32 v29, v30;
	vm13 =	vlt.s32 v6, v31  }
0x34: {  	vm14 =	vgt.f32 v29, v30;
	vm3 =	vmand vm12, vm13  }
0x35: {  	v11 =	vsel vm2, v15, v11;
	vm3 =	vmor vm14, vm3  }
0x36: {  	v32 =	vsel vm2, v17, v13;
	v33 =	vsel vm3, v29, v30;
	v34 =	vsel vm3, v6, v31  }
0x37: {  	vm15 =	veq.f32 v11, v33;
	vm3 =	vlt.s32 v32, v34  }
0x38: {  	vm8 =	vgt.f32 v11, v33;
	vm2 =	vmand vm15, vm3  }
0x39: {  	v9 =	vsel vm1, v19, v9;
	vm2 =	vmor vm8, vm2  }
0x3a: {  	v35 =	vsel vm1, v14, v8;
	v13 =	vsel vm2, v11, v33;
	v15 =	vsel vm2, v32, v34  }
0x3b: {  	vm9 =	veq.f32 v9, v13;
	vm10 =	vlt.s32 v35, v15  }
0x3c: {  	vm11 =	vgt.f32 v18, v3;
	vm12 =	vgt.f32 v9, v13;
	vm2 =	vmand vm9, vm10  }
0x3d: {  	v36 =	vsel vm1, v8, v14;
	v37 =	vsel vm11, v18, v3;
	vm13 =	vmor vm12, vm2  }
0x3e: {  	v38 =	vsel vm11, v36, v2;
	v39 =	vsel vm13, v9, v13;
	v40 =	vsel vm13, v35, v15  }
0x3f: {  	vm14 =	veq.f32 v37, v39;
	vm15 =	vlt.s32 v38, v40  }
0x40: {  	vm6 =	vgt.f32 v37, v39;
	vm1 =	vmand vm14, vm15  }
0x41: {  	vm1 =	vmor vm6, vm1  }
0x42: {  	v41 =	vsel vm1, v37, v39  }
0x43: {  	(xrf0) =	vmax.scan.msk.f32 $0xffff, v41;
	_ =	sdelay $0x5  }
0x44: {  	v42, _, _ =	vpop (xrf0)  }
0x45: {  	v2 =	vbroadcast v42, $0xF  }
0x46: {  	v13 =	vsel vm1, v38, v40  }
0x47: {  	v13 =	vxor.u32 $0x80000000, v13;
	vm7 =	veq.f32 v41, v2  }
0x48: {  	v13 =	vnsel vm7, $0xC0000000, v13  }
0x49: {  	(xrf0) =	vmin.scan.msk.u32 $0xffff, v13;
	_ =	sdelay $0x5  }
0x4a: {  	v13, _, _ =	vpop (xrf0)  }
0x4b: {  	(v2sf) =	vpush v13, $0xF;
	_ =	sdelay $0xe  }
0x4c: {  	s3 =	spop (v2sf)  }
0x4d: {  	vm8 =	veq.f32 v1, v2;
	s3 =	sxor.u32 $0x80000000, s3  }
0x4e: {  	vm10 =	vlt.f32 v1, v2;
	vm13 =	veq.f32 v0, v2;
	vm9 =	vgt.s32 v10, s3  }
0x4f: {  	vm15 =	vlt.f32 v0, v2;
	vm14 =	vgt.s32 v26, s3;
	vm1 =	vmand vm8, vm9  }
0x50: {  	vm3 =	vmand vm13, vm14;
	vm9 =	veq.f32 v29, v2;
	vm1 =	vmor vm10, vm1  }
0x51: {  	vm6 =	vmor vm15, vm3;
	vm10 =	vgt.s32 v6, s3;
	v43 =	vnsel vm1, $0xFF800000, v1  }
0x52: {  	vm1 =	vlt.f32 v43, $-Inf;
	vm11 =	vgt.f32 v43, $-Inf;
	vm12 =	veq.f32 v43, $-Inf  }
0x53: {  	vm15 =	veq.f32 v11, v2;
	vm1 =	vmor vm11, vm1;
	vm2 =	vmand vm0, vm12  }
0x54: {  	v45 =	vnsel vm6, $0xFF800000, v0;
	vm12 =	vlt.f32 v29, v2;
	vm1 =	vmor vm1, vm2  }
0x55: {  	vm2 =	vmand vm9, vm10;
	v13 =	vnsel vm1, $0xFF800000, v43;
	v44 =	vnsel vm1, $0x40000000, v10  }
0x56: {  	vm10 =	vlt.f32 v11, v2;
	vm7 =	veq.f32 v45, v13;
	vm8 =	vlt.s32 v26, v44  }
0x57: {  	vm2 =	vmor vm12, vm2;
	vm11 =	vgt.f32 v45, v13;
	vm1 =	vmand vm7, vm8  }
0x58: {  	v46 =	vnsel vm2, $0xFF800000, v29;
	vm8 =	vgt.s32 v32, s3;
	vm1 =	vmor vm11, vm1  }
0x59: {  	vm2 =	vmand vm15, vm8;
	v13 =	vsel vm1, v45, v13;
	v14 =	vsel vm1, v26, v44  }
0x5a: {  	vm8 =	vlt.f32 v9, v2;
	vm13 =	veq.f32 v46, v13;
	vm14 =	vlt.s32 v6, v14  }
0x5b: {  	vm2 =	vmor vm10, vm2;
	vm9 =	vgt.f32 v46, v13;
	vm1 =	vmand vm13, vm14  }
0x5c: {  	v47 =	vnsel vm2, $0xFF800000, v11;
	vm13 =	veq.f32 v9, v2;
	vm1 =	vmor vm9, vm1  }
0x5d: {  	vm14 =	vgt.s32 v35, s3;
	v13 =	vsel vm1, v46, v13;
	v14 =	vsel vm1, v6, v14  }
0x5e: {  	vm2 =	vmand vm13, vm14;
	vm11 =	veq.f32 v47, v13;
	vm12 =	vlt.s32 v32, v14  }
0x5f: {  	vm2 =	vmor vm8, vm2;
	vm15 =	vgt.f32 v47, v13;
	vm1 =	vmand vm11, vm12  }
0x60: {  	vm14 =	vlt.f32 v37, v2;
	v48 =	vnsel vm2, $0xFF800000, v9;
	vm1 =	vmor vm15, vm1  }
0x61: {  	vm11 =	veq.f32 v37, v2;
	v13 =	vsel vm1, v47, v13;
	v14 =	vsel vm1, v32, v14  }
0x62: {  	vm12 =	vgt.s32 v38, s3;
	vm9 =	veq.f32 v48, v13;
	vm10 =	vlt.s32 v35, v14  }
0x63: {  	vm2 =	vmand vm11, vm12;
	vm13 =	vgt.f32 v48, v13;
	vm1 =	vmand vm9, vm10  }
0x64: {  	vm2 =	vmor vm14, vm2;
	vm1 =	vmor vm13, vm1  }
0x65: {  	v49 =	vnsel vm2, $0xFF800000, v37;
	v13 =	vsel vm1, v48, v13;
	v14 =	vsel vm1, v35, v14  }
0x66: {  	vm15 =	veq.f32 v49, v13;
	vm6 =	vlt.s32 v38, v14  }
0x67: {  	vm7 =	vgt.f32 v49, v13;
	vm1 =	vmand vm15, vm6  }
0x68: {  	vm1 =	vmor vm7, vm1  }
0x69: {  	v13 =	vsel vm1, v49, v13  }
0x6a: {  	(xrf0) =	vmax.scan.msk.f32 $0xffff, v13;
	_ =	sdelay $0x5  }
0x6b: {  	v50, _, _ =	vpop (xrf0)  }
0x6c: {  	v15 =	vbroadcast v50, $0xF  }
0x6d: {  	v14 =	vsel vm1, v38, v14  }
0x6e: {  	v51 =	vxor.u32 $0x80000000, v14;
	vm8 =	veq.f32 v13, v15  }
0x6f: {  	v13 =	vnsel vm8, $0xC0000000, v51  }
0x70: {  	(xrf0) =	vmin.scan.msk.u32 $0xffff, v13;
	_ =	sdelay $0x5  }
0x71: {  	v13, _, _ =	vpop (xrf0)  }
0x72: {  	(v2sf) =	vpush v13, $0xF;
	_ =	sdelay $0xe  }
0x73: {  	s4 =	spop (v2sf)  }
0x74: {  	vm9 =	veq.f32 v1, v15;
	vm11 =	vlt.f32 v1, v15;
	s4 =	sxor.u32 $0x80000000, s4  }
0x75: {  	vm14 =	veq.f32 v0, v15;
	vm10 =	vgt.s32 v10, s4;
	vm15 =	vgt.s32 v26, s4  }
0x76: {  	vm7 =	vlt.f32 v0, v15;
	vm1 =	vmand vm9, vm10;
	vm3 =	vmand vm14, vm15  }
0x77: {  	vm1 =	vmor vm11, vm1;
	vm8 =	vmor vm7, vm3  }
0x78: {  	vm11 =	veq.f32 v29, v15;
	v52 =	vnsel vm1, $0xFF800000, v1;
	v53 =	vnsel vm8, $0xFF800000, v0  }
0x79: {  	vm1 =	vlt.f32 v52, $-Inf;
	vm12 =	vgt.f32 v52, $-Inf;
	vm13 =	veq.f32 v52, $-Inf  }
0x7a: {  	vm1 =	vmor vm12, vm1;
	vm0 =	vmand vm0, vm13;
	vm12 =	vgt.s32 v6, s4  }
0x7b: {  	vm13 =	vlt.f32 v29, v15;
	vm0 =	vmor vm1, vm0;
	vm3 =	vmand vm11, vm12  }
0x7c: {  	vm11 =	vlt.f32 v11, v15;
	v1 =	vnsel vm0, $0xFF800000, v52;
	v10 =	vnsel vm0, $0x40000000, v10  }
0x7d: {  	vm14 =	vmor vm13, vm3;
	vm1 =	veq.f32 v53, v1;
	vm10 =	vlt.s32 v26, v10  }
0x7e: {  	vm9 =	vgt.f32 v53, v1;
	v54 =	vnsel vm14, $0xFF800000, v29;
	vm1 =	vmand vm1, vm10  }
0x7f: {  	vm10 =	vgt.s32 v32, s4;
	vm0 =	vmor vm9, vm1;
	vm9 =	veq.f32 v11, v15  }
0x80: {  	v0 =	vsel vm0, v53, v1;
	v7 =	vsel vm0, v26, v10;
	vm3 =	vmand vm9, vm10  }
0x81: {  	vm9 =	vlt.f32 v9, v15;
	vm1 =	veq.f32 v54, v0;
	vm8 =	vlt.s32 v6, v7  }
0x82: {  	vm15 =	vgt.f32 v54, v0;
	vm12 =	vmor vm11, vm3;
	vm1 =	vmand vm1, vm8  }
0x83: {  	v55 =	vnsel vm12, $0xFF800000, v11;
	vm8 =	vgt.s32 v35, s4;
	vm0 =	vmor vm15, vm1  }
0x84: {  	vm15 =	veq.f32 v9, v15;
	v0 =	vsel vm0, v54, v0;
	v6 =	vsel vm0, v6, v7  }
0x85: {  	vm3 =	vmand vm15, vm8;
	vm1 =	veq.f32 v55, v0;
	vm14 =	vlt.s32 v32, v6  }
0x86: {  	vm13 =	vgt.f32 v55, v0;
	vm10 =	vmor vm9, vm3;
	vm1 =	vmand vm1, vm14  }
0x87: {  	vm15 =	vlt.f32 v37, v15;
	v56 =	vnsel vm10, $0xFF800000, v9;
	vm0 =	vmor vm13, vm1  }
0x88: {  	vm14 =	vgt.s32 v38, s4;
	v0 =	vsel vm0, v55, v0;
	v5 =	vsel vm0, v32, v6  }
0x89: {  	vm13 =	veq.f32 v37, v15;
	vm1 =	veq.f32 v56, v0;
	vm12 =	vlt.s32 v35, v5  }
0x8a: {  	vm3 =	vmand vm13, vm14;
	vm11 =	vgt.f32 v56, v0;
	vm1 =	vmand vm1, vm12  }
0x8b: {  	vm6 =	vmor vm15, vm3;
	vm0 =	vmor vm11, vm1  }
0x8c: {  	v58 =	vnsel vm6, $0xFF800000, v37;
	v0 =	vsel vm0, v56, v0;
	v57 =	vsel vm0, v35, v5  }
0x8d: {  	vm7 =	veq.f32 v58, v0;
	vm8 =	vlt.s32 v38, v57  }
0x8e: {  	vm9 =	vgt.f32 v58, v0;
	vm0 =	vmand vm7, vm8  }
0x8f: {  	vm0 =	vmor vm9, vm0  }
0x90: {  	v0 =	vsel vm0, v58, v0  }
0x91: {  	(xrf0) =	vmax.scan.msk.f32 $0xffff, v0;
	_ =	sdelay $0x5  }
0x92: {  	v59, _, _ =	vpop (xrf0)  }
0x93: {  	v4 =	vbroadcast v59, $0xF  }
0x94: {  	v1 =	vsel vm0, v38, v57  }
0x95: {  	v60 =	vxor.u32 $0x80000000, v1;
	vm10 =	veq.f32 v0, v4  }
0x96: {  	v0 =	vnsel vm10, $0xC0000000, v60  }
0x97: {  	(xrf0) =	vmin.scan.msk.u32 $0xffff, v0;
	_ =	sdelay $0x5  }
0x98: {  	v0, _, _ =	vpop (xrf0)  }
0x99: {  	(v2sf) =	vpush v0, $0xF;
	_ =	sdelay $0xe  }
0x9a: {  	s5 =	spop (v2sf)  }
0x9b: {  	v63 =	vlaneseq.u32;
	vm13 =	vcmask $0x3F04;
	vm11 =	vcmask $0xB08;
	s5 =	sxor.u32 $0x80000000, s5  }
0x9c: {  	vm12 =	vcmask $0x3F08;
	v61 =	vnsel vm11, $0x0, v4;
	v62 =	vmov s5  }
0x9d: {  	vm14 =	vcmask $0x704;
	v0 =	vsel vm12, v61, v15;
	v1 =	vnsel vm11, $0x0, v62  }
0x9e: {  	vm15 =	veq.s32 v63, $0x0;
	v0 =	vsel vm13, v0, v2;
	v1 =	vsel vm14, s4, v1  }
0x9f: {  	[tilespmem:$0x400] =	vst v0;
	v1 =	vsel vm15, s3, v1  }
0xa0: {  	s28 =	simm.s32 $0x0;
	s29 =	simm.s32 $0x400;
	s30 =	simm.s32 $0x1;
	[tilespmem:$0x480] =	vst v1  }
0xa1: {  	[hbm4b:s2+s28] =	stream.linear.scatter [tilespmem:s29], [sflag:$0x1], $0x80, $0x38;
	[tilespmem:$0x500] =	vst v63  }
0xa2: {  	_ =	swait.ge [sflag:s30], $0x80  }
0xa3: {  	[sflag:s30] =	ssyncset.done $0x0  }
0xa4: {  	s31 =	simm.s32 $0x480;
	[sflag:s30] =	ssyncadd.s32 $0xFFFFFF80  }
0xa5: {  	[hbm4b:s1+s28] =	stream.linear.scatter [tilespmem:s31], [sflag:$0x1], $0x80, $0x38;
	[tilespmem:$0x500] =	vst v63  }
0xa6: {  	_ =	swait.ge [sflag:s30], $0x80  }
0xa7: {  	[sflag:s30] =	ssyncset.done $0x0  }
0xa8: {  	[sflag:s30] =	ssyncadd.s32 $0xFFFFFF80  }
0xa9: {  	_ =	sfence.sel $0x180000  }
0xaa: {  	[bflag:$0x0] =	sbarrier.arrive $0xFFFF  }
0xab: {  	_ =	strace $0x90000047  }
0xac: {  	s0 =	sadd.s32 $0x100000, s0;
	[bflag:$0x2] =	sbarrier.arrive $0xFFFF  }
0xad: {  	[sflag:s0] =	ssyncadd.tile.s32 $0x1;
	_ =	shalt  }
.Lfunc_end2:
_tile_overlayer_lowered:
.L_overlay_start_2:
0xae: {  	(tag) =	ssettag $0x2  }
0xaf: {  	s0 =	rddreg [dreg:$0x0];
	s2 =	stileid.u32  }
0xb0: {  	s1 =	rddreg [dreg:$0x1];
	p0 =	sne.s32 s2, $0x0  }
0xb1: {  	s3 =	rddreg [dreg:$0x2];
	[bflag:$0x3] =	sbarrier.arrive $0xFFFF;
	s2 =	simm.s32 @!p0 $0x1C01  }
0xb2: {  	[timem:s3], [sflag:s2] =	dma.local @!p0 [hbm:s0], s1  }
0xb3: {  	s0 =	simm.s32 @!p0 $0x1  }
0xb4: {  	_ =	swait.ge @!p0 [sflag:s0], s1  }
0xb5: {  	s1 =	ssub.s32 @!p0 $0x0, s1;
	[sflag:s0] =	ssyncset.done @!p0 $0x0  }
0xb6: {  	[sflag:s0] =	ssyncadd.s32 @!p0 s1  }
0xb7: {  	[bflag:$0x3] =	sbarrier.arrive $0xFFFF  }
0xb8: {  	_ =	shalt  }

</sc_bundles>
